<compile_context>
chip_gen: v7x
topology: tpu7x:2x2x1
jax: 0.10.2.dev20260603
libtpu: 0.0.44.dev20260713+nightly
codegen_flags: <defaults>
</compile_context>

<pallas_src>
import jax
import jax.numpy as jnp
from jax import lax
from jax.experimental import pallas as pl
from jax.experimental.pallas import tpu as pltpu
from jax.experimental.pallas import tpu_sc as plsc

_BATCH = 16384
_IN = 40
_L = 16
_EMB = 32

_info = plsc.get_sparse_core_info()
_NCORES = 1
_NW = _NCORES * _info.num_subcores
_RPW = _BATCH // _NW
_NGRP = _RPW // _L


def _sc_body(ids_hbm, w0_hbm, w12_hbm, emb_hbm, ids_v, w0_v, w12_v, out_v):
    wid = lax.axis_index("s") * _NCORES + lax.axis_index("c")
    base = wid * _RPW

    pltpu.sync_copy(ids_hbm.at[pl.ds(base, _RPW)], ids_v)
    pltpu.sync_copy(w0_hbm, w0_v)
    pltpu.sync_copy(w12_hbm, w12_v)

    col1 = jnp.full((_L,), 1, jnp.int32)
    col2 = jnp.full((_L,), 2, jnp.int32)
    jcol = lax.iota(jnp.int32, _L)

    @plsc.parallel_loop(0, _NGRP, unroll=1)
    def _grp(g):
        rows = lax.iota(jnp.int32, _L) + g * _L
        i0 = plsc.load_gather(ids_v, [rows, jnp.zeros((_L,), jnp.int32)]).astype(jnp.int32)
        i1 = plsc.load_gather(ids_v, [rows, col1]).astype(jnp.int32)
        i2 = plsc.load_gather(ids_v, [rows, col2]).astype(jnp.int32)
        b0 = jnp.where((i0 >= 0) & (i0 < 64), i0, 64)
        b1 = jnp.where((i1 >= 0) & (i1 < 32), i1, 32)
        b2 = jnp.where((i2 >= 0) & (i2 < 16), i2, 16)
        b12 = b1 * 17 + b2
        obase = rows * _EMB
        for j in range(_L):
            jv = jnp.full((_L,), j, jnp.int32)
            v0 = plsc.load_gather(w0_v, [b0, jv])
            plsc.store_scatter(out_v, [obase + j], v0)
            v12 = plsc.load_gather(w12_v, [b12, jv])
            plsc.store_scatter(out_v, [obase + (16 + j)], v12)

    pltpu.sync_copy(out_v, emb_hbm.at[pl.ds(base * _EMB, _RPW * _EMB)])


def _tc_pass_body(in_ref, out_ref):
    out_ref[...] = in_ref[:, 3:_IN]


def kernel(inputs, W0, W1, W2):
    W12 = jnp.concatenate(
        [jnp.repeat(W1, 17, axis=0), jnp.tile(W2, (33, 1))], axis=1)
    ids8 = inputs[:, :8]

    mesh = plsc.VectorSubcoreMesh(core_axis_name="c", subcore_axis_name="s",
                                  num_cores=_NCORES)
    sc_run = pl.kernel(
        _sc_body,
        out_type=jax.ShapeDtypeStruct((_BATCH * _EMB,), jnp.float32),
        mesh=mesh,
        compiler_params=pltpu.CompilerParams(use_tc_tiling_on_sc=False,
                                             needs_layout_passes=False),
        scratch_types=[
            pltpu.VMEM((_RPW, 8), jnp.float32),
            pltpu.VMEM((65, 16), jnp.float32),
            pltpu.VMEM((561, 16), jnp.float32),
            pltpu.VMEM((_RPW * _EMB,), jnp.float32),
        ],
    )
    emb = sc_run(ids8, W0, W12).reshape(_BATCH, _EMB)

    blk = 2048
    passed = pl.pallas_call(
        _tc_pass_body,
        out_shape=jax.ShapeDtypeStruct((_BATCH, _IN - 3), jnp.float32),
        grid=(_BATCH // blk,),
        in_specs=[pl.BlockSpec((blk, _IN), lambda i: (i, 0))],
        out_specs=pl.BlockSpec((blk, _IN - 3), lambda i: (i, 0)),
    )(inputs)

    return jnp.concatenate([passed, emb], axis=1)

# --- scband reference (transcript-rebuilt; emitter-appended) ---
"""Pipeline reference for scband-multi-one-hot-dense-encoder-30855045054713 (READ-ONLY COPY).

The authoritative reference and input builder live on the scoring server;
editing this copy changes nothing except your own understanding.
"""

import jax, jax.numpy as jnp
import numpy as np

FEATURE_INDEXES = [0, 1, 2]
TRAIN_IDS = [np.arange(64, dtype=np.int64), np.arange(32, dtype=np.int64), np.arange(16, dtype=np.int64)]
OUTPUT_DIMS = [16, 8, 8]
INPUT_SIZE = 40
BATCH = 16384


def setup_inputs(seed: int = 0) -> dict:
    key = jax.random.key(seed)
    k1, k2, k3, k4 = jax.random.split(key, 4)
    # raw integer IDs stored as floats (as the keras layer expects)
    inputs = jax.random.randint(k1, (BATCH, INPUT_SIZE), 0, 64).astype(jnp.float32)
    # bias-less Dense kernels of each OneHotDenseEncoder: shape (depth, output_dim), depth = num_ids + 1 (OOV)
    W0 = jax.random.normal(k2, (64 + 1, 16), dtype=jnp.float32) * 0.05
    W1 = jax.random.normal(k3, (32 + 1, 8), dtype=jnp.float32) * 0.05
    W2 = jax.random.normal(k4, (16 + 1, 8), dtype=jnp.float32) * 0.05
    return {"inputs": inputs, "W0": W0, "W1": W1, "W2": W2}


def _encode_one(col, train_ids, W):
    # 1) round float ids -> int ids (mirrors tf.cast(tf.math.round(...)))
    int_ids = jnp.round(col).astype(jnp.int32).reshape(-1)
    ids = jnp.asarray(train_ids, dtype=jnp.int32)
    oov_bucket = ids.shape[0]
    # 2) map raw id -> bucket index; unmatched ids fall into the OOV bucket.
    #    (equivalent to the tf.where loop because train_ids are unique)
    matches = int_ids[:, None] == ids[None, :]
    bucket_idx = jnp.where(matches.any(axis=1), jnp.argmax(matches, axis=1), oov_bucket)
    # 3) one-hot encode and project with a bias-less dense layer
    oh = jax.nn.one_hot(bucket_idx, oov_bucket + 1, dtype=jnp.float32)
    return oh @ W


def reference(inputs, W0, W1, W2):
    keep = jnp.asarray([i for i in range(INPUT_SIZE) if i not in FEATURE_INDEXES], dtype=jnp.int32)
    gathered = jnp.take(inputs, keep, axis=1)
    Ws = [W0, W1, W2]
    encoded = [_encode_one(inputs[:, idx], TRAIN_IDS[j], Ws[j]) for j, idx in enumerate(FEATURE_INDEXES)]
    return jnp.concatenate([gathered] + encoded, axis=1)

if __name__ == "__main__":
    import jax
    _d = setup_inputs()
    print(jax.jit(kernel)(*tuple(_d.values())))

</pallas_src>

<mosaic_0001>
#map = affine_map<(d0, d1) -> (0, 0)>
#map1 = affine_map<(d0, d1) -> (0)>
module attributes {stable_mosaic.version = 14 : i64} {
  func.func @_sc_body(%arg0: i32, %arg1: i32, %arg2: memref<16384x8xf32, #tpu.memory_space<hbm>>, %arg3: memref<65x16xf32, #tpu.memory_space<hbm>>, %arg4: memref<561x16xf32, #tpu.memory_space<hbm>>, %arg5: memref<524288xf32, #tpu.memory_space<hbm>>, %arg6: memref<1024x8xf32, #tpu.memory_space<vmem>>, %arg7: memref<65x16xf32, #tpu.memory_space<vmem>>, %arg8: memref<561x16xf32, #tpu.memory_space<vmem>>, %arg9: memref<32768xf32, #tpu.memory_space<vmem>>) attributes {dimension_semantics = [#tpu.dimension_semantics<core_parallel>, #tpu.dimension_semantics<subcore_parallel>], iteration_bounds = array<i64: 1, 16>, scalar_prefetch = 0 : i64, scratch_operands = 4 : i64, tpu.core_type = #tpu.core_type<sc_vector_subcore>, window_params = [{transform_indices = #map}, {transform_indices = #map}, {transform_indices = #map}, {transform_indices = #map1}]} {
    %mul3A = arith.constant 1 : i32
    %mul3A_0 = arith.muli %arg1, %mul3A : i32
    %add3A = arith.addi %mul3A_0, %arg0 : i32
    %mul3A_1 = arith.constant 1024 : i32
    %mul3A_2 = arith.muli %add3A, %mul3A_1 : i32
    "tpu.region"() ({
      %run_scoped3A = tpu.sem_alloc : memref<!tpu.dma_semaphore, #tpu.memory_space<semaphore_mem>>
      %dma_start3A = arith.constant 0 : i32
      %dma_start3A_10 = tpu.memref_slice %arg2[%mul3A_2, %dma_start3A] : memref<16384x8xf32, #tpu.memory_space<hbm>> -> memref<1024x8xf32, #tpu.memory_space<hbm>>
      %dma_start3A_11 = arith.constant 0 : i32
      %dma_start3A_12 = tpu.memref_slice %arg2[%mul3A_2, %dma_start3A_11] : memref<16384x8xf32, #tpu.memory_space<hbm>> -> memref<1024x8xf32, #tpu.memory_space<hbm>>
      tpu.enqueue_dma source(%dma_start3A_12 : memref<1024x8xf32, #tpu.memory_space<hbm>>) target(%arg6 : memref<1024x8xf32, #tpu.memory_space<vmem>>) target_semaphore(%run_scoped3A : memref<!tpu.dma_semaphore, #tpu.memory_space<semaphore_mem>>)
      %dma_wait3A = arith.constant 0 : i32
      %dma_wait3A_13 = tpu.memref_slice %arg2[%mul3A_2, %dma_wait3A] : memref<16384x8xf32, #tpu.memory_space<hbm>> -> memref<1024x8xf32, #tpu.memory_space<hbm>>
      %dma_wait3A_14 = arith.constant 0 : i32
      %dma_wait3A_15 = tpu.memref_slice %arg2[%mul3A_2, %dma_wait3A_14] : memref<16384x8xf32, #tpu.memory_space<hbm>> -> memref<1024x8xf32, #tpu.memory_space<hbm>>
      tpu.wait_dma2 semaphore(%run_scoped3A : memref<!tpu.dma_semaphore, #tpu.memory_space<semaphore_mem>>) src(%dma_wait3A_15 : memref<1024x8xf32, #tpu.memory_space<hbm>>) dst(%arg6 : memref<1024x8xf32, #tpu.memory_space<vmem>>)
      tpu.yield
    }) : () -> ()
    "tpu.region"() ({
      %run_scoped3A = tpu.sem_alloc : memref<!tpu.dma_semaphore, #tpu.memory_space<semaphore_mem>>
      tpu.enqueue_dma source(%arg3 : memref<65x16xf32, #tpu.memory_space<hbm>>) target(%arg7 : memref<65x16xf32, #tpu.memory_space<vmem>>) target_semaphore(%run_scoped3A : memref<!tpu.dma_semaphore, #tpu.memory_space<semaphore_mem>>)
      tpu.wait_dma2 semaphore(%run_scoped3A : memref<!tpu.dma_semaphore, #tpu.memory_space<semaphore_mem>>) src(%arg3 : memref<65x16xf32, #tpu.memory_space<hbm>>) dst(%arg7 : memref<65x16xf32, #tpu.memory_space<vmem>>)
      tpu.yield
    }) : () -> ()
    "tpu.region"() ({
      %run_scoped3A = tpu.sem_alloc : memref<!tpu.dma_semaphore, #tpu.memory_space<semaphore_mem>>
      tpu.enqueue_dma source(%arg4 : memref<561x16xf32, #tpu.memory_space<hbm>>) target(%arg8 : memref<561x16xf32, #tpu.memory_space<vmem>>) target_semaphore(%run_scoped3A : memref<!tpu.dma_semaphore, #tpu.memory_space<semaphore_mem>>)
      tpu.wait_dma2 semaphore(%run_scoped3A : memref<!tpu.dma_semaphore, #tpu.memory_space<semaphore_mem>>) src(%arg4 : memref<561x16xf32, #tpu.memory_space<hbm>>) dst(%arg8 : memref<561x16xf32, #tpu.memory_space<vmem>>)
      tpu.yield
    }) : () -> ()
    %broadcast_in_dim3A = arith.constant 1 : i32
    %broadcast_in_dim3A_3 = vector.broadcast %broadcast_in_dim3A : i32 to vector<16xi32>
    %broadcast_in_dim3A_4 = arith.constant 2 : i32
    %broadcast_in_dim3A_5 = vector.broadcast %broadcast_in_dim3A_4 : i32 to vector<16xi32>
    %iota3A = tpu.iota {dimensions = array<i32: 0>} : vector<16xi32>
    %parallel_loop3A = arith.constant 0 : i32
    %parallel_loop3A_6 = arith.constant 64 : i32
    %parallel_loop3A_7 = arith.constant 1 : i32
    scf.for %parallel_loop3A_10 = %parallel_loop3A to %parallel_loop3A_6 step %parallel_loop3A_7  : i32 {
      %parallel_loop3A_11 = tpu.iota {dimensions = array<i32: 0>} : vector<16xi32>
      %parallel_loop3A_12 = arith.constant 16 : i32
      %parallel_loop3A_13 = arith.muli %parallel_loop3A_10, %parallel_loop3A_12 : i32
      %parallel_loop3A_14 = vector.broadcast %parallel_loop3A_13 : i32 to vector<16xi32>
      %parallel_loop3A_15 = arith.addi %parallel_loop3A_11, %parallel_loop3A_14 : vector<16xi32>
      %parallel_loop3A_16 = arith.constant 0 : i32
      %parallel_loop3A_17 = vector.broadcast %parallel_loop3A_16 : i32 to vector<16xi32>
      %parallel_loop3A_18 = tpu.vector_load_idx %arg6[%parallel_loop3A_15, %parallel_loop3A_17] : memref<1024x8xf32, #tpu.memory_space<vmem>>[vector<16xi32>, vector<16xi32>], vector<16xf32>,
      %parallel_loop3A_19 = arith.fptosi %parallel_loop3A_18 : vector<16xf32> to vector<16xi32>
      %parallel_loop3A_20 = tpu.vector_load_idx %arg6[%parallel_loop3A_15, %broadcast_in_dim3A_3] : memref<1024x8xf32, #tpu.memory_space<vmem>>[vector<16xi32>, vector<16xi32>], vector<16xf32>,
      %parallel_loop3A_21 = arith.fptosi %parallel_loop3A_20 : vector<16xf32> to vector<16xi32>
      %parallel_loop3A_22 = tpu.vector_load_idx %arg6[%parallel_loop3A_15, %broadcast_in_dim3A_5] : memref<1024x8xf32, #tpu.memory_space<vmem>>[vector<16xi32>, vector<16xi32>], vector<16xf32>,
      %parallel_loop3A_23 = arith.fptosi %parallel_loop3A_22 : vector<16xf32> to vector<16xi32>
      %parallel_loop3A_24 = arith.constant 0 : i32
      %parallel_loop3A_25 = vector.broadcast %parallel_loop3A_24 : i32 to vector<16xi32>
      %parallel_loop3A_26 = arith.cmpi sge, %parallel_loop3A_19, %parallel_loop3A_25 : vector<16xi32>
      %parallel_loop3A_27 = arith.constant 64 : i32
      %parallel_loop3A_28 = vector.broadcast %parallel_loop3A_27 : i32 to vector<16xi32>
      %parallel_loop3A_29 = arith.cmpi slt, %parallel_loop3A_19, %parallel_loop3A_28 : vector<16xi32>
      %parallel_loop3A_30 = arith.andi %parallel_loop3A_26, %parallel_loop3A_29 : vector<16xi1>
      %parallel_loop3A_31 = arith.constant 64 : i32
      %parallel_loop3A_32 = vector.broadcast %parallel_loop3A_31 : i32 to vector<16xi32>
      %parallel_loop3A_33 = arith.select %parallel_loop3A_30, %parallel_loop3A_19, %parallel_loop3A_32 : vector<16xi1>, vector<16xi32>
      %parallel_loop3A_34 = arith.constant 0 : i32
      %parallel_loop3A_35 = vector.broadcast %parallel_loop3A_34 : i32 to vector<16xi32>
      %parallel_loop3A_36 = arith.cmpi sge, %parallel_loop3A_21, %parallel_loop3A_35 : vector<16xi32>
      %parallel_loop3A_37 = arith.constant 32 : i32
      %parallel_loop3A_38 = vector.broadcast %parallel_loop3A_37 : i32 to vector<16xi32>
      %parallel_loop3A_39 = arith.cmpi slt, %parallel_loop3A_21, %parallel_loop3A_38 : vector<16xi32>
      %parallel_loop3A_40 = arith.andi %parallel_loop3A_36, %parallel_loop3A_39 : vector<16xi1>
      %parallel_loop3A_41 = arith.constant 32 : i32
      %parallel_loop3A_42 = vector.broadcast %parallel_loop3A_41 : i32 to vector<16xi32>
      %parallel_loop3A_43 = arith.select %parallel_loop3A_40, %parallel_loop3A_21, %parallel_loop3A_42 : vector<16xi1>, vector<16xi32>
      %parallel_loop3A_44 = arith.constant 0 : i32
      %parallel_loop3A_45 = vector.broadcast %parallel_loop3A_44 : i32 to vector<16xi32>
      %parallel_loop3A_46 = arith.cmpi sge, %parallel_loop3A_23, %parallel_loop3A_45 : vector<16xi32>
      %parallel_loop3A_47 = arith.constant 16 : i32
      %parallel_loop3A_48 = vector.broadcast %parallel_loop3A_47 : i32 to vector<16xi32>
      %parallel_loop3A_49 = arith.cmpi slt, %parallel_loop3A_23, %parallel_loop3A_48 : vector<16xi32>
      %parallel_loop3A_50 = arith.andi %parallel_loop3A_46, %parallel_loop3A_49 : vector<16xi1>
      %parallel_loop3A_51 = arith.constant 16 : i32
      %parallel_loop3A_52 = vector.broadcast %parallel_loop3A_51 : i32 to vector<16xi32>
      %parallel_loop3A_53 = arith.select %parallel_loop3A_50, %parallel_loop3A_23, %parallel_loop3A_52 : vector<16xi1>, vector<16xi32>
      %parallel_loop3A_54 = arith.constant 17 : i32
      %parallel_loop3A_55 = vector.broadcast %parallel_loop3A_54 : i32 to vector<16xi32>
      %parallel_loop3A_56 = arith.muli %parallel_loop3A_43, %parallel_loop3A_55 : vector<16xi32>
      %parallel_loop3A_57 = arith.addi %parallel_loop3A_56, %parallel_loop3A_53 : vector<16xi32>
      %parallel_loop3A_58 = arith.constant 32 : i32
      %parallel_loop3A_59 = vector.broadcast %parallel_loop3A_58 : i32 to vector<16xi32>
      %parallel_loop3A_60 = arith.muli %parallel_loop3A_15, %parallel_loop3A_59 : vector<16xi32>
      %parallel_loop3A_61 = arith.constant 0 : i32
      %parallel_loop3A_62 = vector.broadcast %parallel_loop3A_61 : i32 to vector<16xi32>
      %parallel_loop3A_63 = tpu.vector_load_idx %arg7[%parallel_loop3A_33, %parallel_loop3A_62] : memref<65x16xf32, #tpu.memory_space<vmem>>[vector<16xi32>, vector<16xi32>], vector<16xf32>,
      %parallel_loop3A_64 = arith.constant 0 : i32
      %parallel_loop3A_65 = vector.broadcast %parallel_loop3A_64 : i32 to vector<16xi32>
      %parallel_loop3A_66 = arith.addi %parallel_loop3A_60, %parallel_loop3A_65 : vector<16xi32>
      tpu.vector_store_idx %arg9[%parallel_loop3A_66], %parallel_loop3A_63 : memref<32768xf32, #tpu.memory_space<vmem>>[vector<16xi32>], vector<16xf32>,
      %parallel_loop3A_67 = tpu.vector_load_idx %arg8[%parallel_loop3A_57, %parallel_loop3A_62] : memref<561x16xf32, #tpu.memory_space<vmem>>[vector<16xi32>, vector<16xi32>], vector<16xf32>,
      %parallel_loop3A_68 = arith.constant 16 : i32
      %parallel_loop3A_69 = vector.broadcast %parallel_loop3A_68 : i32 to vector<16xi32>
      %parallel_loop3A_70 = arith.addi %parallel_loop3A_60, %parallel_loop3A_69 : vector<16xi32>
      tpu.vector_store_idx %arg9[%parallel_loop3A_70], %parallel_loop3A_67 : memref<32768xf32, #tpu.memory_space<vmem>>[vector<16xi32>], vector<16xf32>,
      %parallel_loop3A_71 = arith.constant 1 : i32
      %parallel_loop3A_72 = vector.broadcast %parallel_loop3A_71 : i32 to vector<16xi32>
      %parallel_loop3A_73 = tpu.vector_load_idx %arg7[%parallel_loop3A_33, %parallel_loop3A_72] : memref<65x16xf32, #tpu.memory_space<vmem>>[vector<16xi32>, vector<16xi32>], vector<16xf32>,
      %parallel_loop3A_74 = arith.constant 1 : i32
      %parallel_loop3A_75 = vector.broadcast %parallel_loop3A_74 : i32 to vector<16xi32>
      %parallel_loop3A_76 = arith.addi %parallel_loop3A_60, %parallel_loop3A_75 : vector<16xi32>
      tpu.vector_store_idx %arg9[%parallel_loop3A_76], %parallel_loop3A_73 : memref<32768xf32, #tpu.memory_space<vmem>>[vector<16xi32>], vector<16xf32>,
      %parallel_loop3A_77 = tpu.vector_load_idx %arg8[%parallel_loop3A_57, %parallel_loop3A_72] : memref<561x16xf32, #tpu.memory_space<vmem>>[vector<16xi32>, vector<16xi32>], vector<16xf32>,
      %parallel_loop3A_78 = arith.constant 17 : i32
      %parallel_loop3A_79 = vector.broadcast %parallel_loop3A_78 : i32 to vector<16xi32>
      %parallel_loop3A_80 = arith.addi %parallel_loop3A_60, %parallel_loop3A_79 : vector<16xi32>
      tpu.vector_store_idx %arg9[%parallel_loop3A_80], %parallel_loop3A_77 : memref<32768xf32, #tpu.memory_space<vmem>>[vector<16xi32>], vector<16xf32>,
      %parallel_loop3A_81 = arith.constant 2 : i32
      %parallel_loop3A_82 = vector.broadcast %parallel_loop3A_81 : i32 to vector<16xi32>
      %parallel_loop3A_83 = tpu.vector_load_idx %arg7[%parallel_loop3A_33, %parallel_loop3A_82] : memref<65x16xf32, #tpu.memory_space<vmem>>[vector<16xi32>, vector<16xi32>], vector<16xf32>,
      %parallel_loop3A_84 = arith.constant 2 : i32
      %parallel_loop3A_85 = vector.broadcast %parallel_loop3A_84 : i32 to vector<16xi32>
      %parallel_loop3A_86 = arith.addi %parallel_loop3A_60, %parallel_loop3A_85 : vector<16xi32>
      tpu.vector_store_idx %arg9[%parallel_loop3A_86], %parallel_loop3A_83 : memref<32768xf32, #tpu.memory_space<vmem>>[vector<16xi32>], vector<16xf32>,
      %parallel_loop3A_87 = tpu.vector_load_idx %arg8[%parallel_loop3A_57, %parallel_loop3A_82] : memref<561x16xf32, #tpu.memory_space<vmem>>[vector<16xi32>, vector<16xi32>], vector<16xf32>,
      %parallel_loop3A_88 = arith.constant 18 : i32
      %parallel_loop3A_89 = vector.broadcast %parallel_loop3A_88 : i32 to vector<16xi32>
      %parallel_loop3A_90 = arith.addi %parallel_loop3A_60, %parallel_loop3A_89 : vector<16xi32>
      tpu.vector_store_idx %arg9[%parallel_loop3A_90], %parallel_loop3A_87 : memref<32768xf32, #tpu.memory_space<vmem>>[vector<16xi32>], vector<16xf32>,
      %parallel_loop3A_91 = arith.constant 3 : i32
      %parallel_loop3A_92 = vector.broadcast %parallel_loop3A_91 : i32 to vector<16xi32>
      %parallel_loop3A_93 = tpu.vector_load_idx %arg7[%parallel_loop3A_33, %parallel_loop3A_92] : memref<65x16xf32, #tpu.memory_space<vmem>>[vector<16xi32>, vector<16xi32>], vector<16xf32>,
      %parallel_loop3A_94 = arith.constant 3 : i32
      %parallel_loop3A_95 = vector.broadcast %parallel_loop3A_94 : i32 to vector<16xi32>
      %parallel_loop3A_96 = arith.addi %parallel_loop3A_60, %parallel_loop3A_95 : vector<16xi32>
      tpu.vector_store_idx %arg9[%parallel_loop3A_96], %parallel_loop3A_93 : memref<32768xf32, #tpu.memory_space<vmem>>[vector<16xi32>], vector<16xf32>,
      %parallel_loop3A_97 = tpu.vector_load_idx %arg8[%parallel_loop3A_57, %parallel_loop3A_92] : memref<561x16xf32, #tpu.memory_space<vmem>>[vector<16xi32>, vector<16xi32>], vector<16xf32>,
      %parallel_loop3A_98 = arith.constant 19 : i32
      %parallel_loop3A_99 = vector.broadcast %parallel_loop3A_98 : i32 to vector<16xi32>
      %parallel_loop3A_100 = arith.addi %parallel_loop3A_60, %parallel_loop3A_99 : vector<16xi32>
      tpu.vector_store_idx %arg9[%parallel_loop3A_100], %parallel_loop3A_97 : memref<32768xf32, #tpu.memory_space<vmem>>[vector<16xi32>], vector<16xf32>,
      %parallel_loop3A_101 = arith.constant 4 : i32
      %parallel_loop3A_102 = vector.broadcast %parallel_loop3A_101 : i32 to vector<16xi32>
      %parallel_loop3A_103 = tpu.vector_load_idx %arg7[%parallel_loop3A_33, %parallel_loop3A_102] : memref<65x16xf32, #tpu.memory_space<vmem>>[vector<16xi32>, vector<16xi32>], vector<16xf32>,
      %parallel_loop3A_104 = arith.constant 4 : i32
      %parallel_loop3A_105 = vector.broadcast %parallel_loop3A_104 : i32 to vector<16xi32>
      %parallel_loop3A_106 = arith.addi %parallel_loop3A_60, %parallel_loop3A_105 : vector<16xi32>
      tpu.vector_store_idx %arg9[%parallel_loop3A_106], %parallel_loop3A_103 : memref<32768xf32, #tpu.memory_space<vmem>>[vector<16xi32>], vector<16xf32>,
      %parallel_loop3A_107 = tpu.vector_load_idx %arg8[%parallel_loop3A_57, %parallel_loop3A_102] : memref<561x16xf32, #tpu.memory_space<vmem>>[vector<16xi32>, vector<16xi32>], vector<16xf32>,
      %parallel_loop3A_108 = arith.constant 20 : i32
      %parallel_loop3A_109 = vector.broadcast %parallel_loop3A_108 : i32 to vector<16xi32>
      %parallel_loop3A_110 = arith.addi %parallel_loop3A_60, %parallel_loop3A_109 : vector<16xi32>
      tpu.vector_store_idx %arg9[%parallel_loop3A_110], %parallel_loop3A_107 : memref<32768xf32, #tpu.memory_space<vmem>>[vector<16xi32>], vector<16xf32>,
      %parallel_loop3A_111 = arith.constant 5 : i32
      %parallel_loop3A_112 = vector.broadcast %parallel_loop3A_111 : i32 to vector<16xi32>
      %parallel_loop3A_113 = tpu.vector_load_idx %arg7[%parallel_loop3A_33, %parallel_loop3A_112] : memref<65x16xf32, #tpu.memory_space<vmem>>[vector<16xi32>, vector<16xi32>], vector<16xf32>,
      %parallel_loop3A_114 = arith.constant 5 : i32
      %parallel_loop3A_115 = vector.broadcast %parallel_loop3A_114 : i32 to vector<16xi32>
      %parallel_loop3A_116 = arith.addi %parallel_loop3A_60, %parallel_loop3A_115 : vector<16xi32>
      tpu.vector_store_idx %arg9[%parallel_loop3A_116], %parallel_loop3A_113 : memref<32768xf32, #tpu.memory_space<vmem>>[vector<16xi32>], vector<16xf32>,
      %parallel_loop3A_117 = tpu.vector_load_idx %arg8[%parallel_loop3A_57, %parallel_loop3A_112] : memref<561x16xf32, #tpu.memory_space<vmem>>[vector<16xi32>, vector<16xi32>], vector<16xf32>,
      %parallel_loop3A_118 = arith.constant 21 : i32
      %parallel_loop3A_119 = vector.broadcast %parallel_loop3A_118 : i32 to vector<16xi32>
      %parallel_loop3A_120 = arith.addi %parallel_loop3A_60, %parallel_loop3A_119 : vector<16xi32>
      tpu.vector_store_idx %arg9[%parallel_loop3A_120], %parallel_loop3A_117 : memref<32768xf32, #tpu.memory_space<vmem>>[vector<16xi32>], vector<16xf32>,
      %parallel_loop3A_121 = arith.constant 6 : i32
      %parallel_loop3A_122 = vector.broadcast %parallel_loop3A_121 : i32 to vector<16xi32>
      %parallel_loop3A_123 = tpu.vector_load_idx %arg7[%parallel_loop3A_33, %parallel_loop3A_122] : memref<65x16xf32, #tpu.memory_space<vmem>>[vector<16xi32>, vector<16xi32>], vector<16xf32>,
      %parallel_loop3A_124 = arith.constant 6 : i32
      %parallel_loop3A_125 = vector.broadcast %parallel_loop3A_124 : i32 to vector<16xi32>
      %parallel_loop3A_126 = arith.addi %parallel_loop3A_60, %parallel_loop3A_125 : vector<16xi32>
      tpu.vector_store_idx %arg9[%parallel_loop3A_126], %parallel_loop3A_123 : memref<32768xf32, #tpu.memory_space<vmem>>[vector<16xi32>], vector<16xf32>,
      %parallel_loop3A_127 = tpu.vector_load_idx %arg8[%parallel_loop3A_57, %parallel_loop3A_122] : memref<561x16xf32, #tpu.memory_space<vmem>>[vector<16xi32>, vector<16xi32>], vector<16xf32>,
      %parallel_loop3A_128 = arith.constant 22 : i32
      %parallel_loop3A_129 = vector.broadcast %parallel_loop3A_128 : i32 to vector<16xi32>
      %parallel_loop3A_130 = arith.addi %parallel_loop3A_60, %parallel_loop3A_129 : vector<16xi32>
      tpu.vector_store_idx %arg9[%parallel_loop3A_130], %parallel_loop3A_127 : memref<32768xf32, #tpu.memory_space<vmem>>[vector<16xi32>], vector<16xf32>,
      %parallel_loop3A_131 = arith.constant 7 : i32
      %parallel_loop3A_132 = vector.broadcast %parallel_loop3A_131 : i32 to vector<16xi32>
      %parallel_loop3A_133 = tpu.vector_load_idx %arg7[%parallel_loop3A_33, %parallel_loop3A_132] : memref<65x16xf32, #tpu.memory_space<vmem>>[vector<16xi32>, vector<16xi32>], vector<16xf32>,
      %parallel_loop3A_134 = arith.constant 7 : i32
      %parallel_loop3A_135 = vector.broadcast %parallel_loop3A_134 : i32 to vector<16xi32>
      %parallel_loop3A_136 = arith.addi %parallel_loop3A_60, %parallel_loop3A_135 : vector<16xi32>
      tpu.vector_store_idx %arg9[%parallel_loop3A_136], %parallel_loop3A_133 : memref<32768xf32, #tpu.memory_space<vmem>>[vector<16xi32>], vector<16xf32>,
      %parallel_loop3A_137 = tpu.vector_load_idx %arg8[%parallel_loop3A_57, %parallel_loop3A_132] : memref<561x16xf32, #tpu.memory_space<vmem>>[vector<16xi32>, vector<16xi32>], vector<16xf32>,
      %parallel_loop3A_138 = arith.constant 23 : i32
      %parallel_loop3A_139 = vector.broadcast %parallel_loop3A_138 : i32 to vector<16xi32>
      %parallel_loop3A_140 = arith.addi %parallel_loop3A_60, %parallel_loop3A_139 : vector<16xi32>
      tpu.vector_store_idx %arg9[%parallel_loop3A_140], %parallel_loop3A_137 : memref<32768xf32, #tpu.memory_space<vmem>>[vector<16xi32>], vector<16xf32>,
      %parallel_loop3A_141 = arith.constant 8 : i32
      %parallel_loop3A_142 = vector.broadcast %parallel_loop3A_141 : i32 to vector<16xi32>
      %parallel_loop3A_143 = tpu.vector_load_idx %arg7[%parallel_loop3A_33, %parallel_loop3A_142] : memref<65x16xf32, #tpu.memory_space<vmem>>[vector<16xi32>, vector<16xi32>], vector<16xf32>,
      %parallel_loop3A_144 = arith.constant 8 : i32
      %parallel_loop3A_145 = vector.broadcast %parallel_loop3A_144 : i32 to vector<16xi32>
      %parallel_loop3A_146 = arith.addi %parallel_loop3A_60, %parallel_loop3A_145 : vector<16xi32>
      tpu.vector_store_idx %arg9[%parallel_loop3A_146], %parallel_loop3A_143 : memref<32768xf32, #tpu.memory_space<vmem>>[vector<16xi32>], vector<16xf32>,
      %parallel_loop3A_147 = tpu.vector_load_idx %arg8[%parallel_loop3A_57, %parallel_loop3A_142] : memref<561x16xf32, #tpu.memory_space<vmem>>[vector<16xi32>, vector<16xi32>], vector<16xf32>,
      %parallel_loop3A_148 = arith.constant 24 : i32
      %parallel_loop3A_149 = vector.broadcast %parallel_loop3A_148 : i32 to vector<16xi32>
      %parallel_loop3A_150 = arith.addi %parallel_loop3A_60, %parallel_loop3A_149 : vector<16xi32>
      tpu.vector_store_idx %arg9[%parallel_loop3A_150], %parallel_loop3A_147 : memref<32768xf32, #tpu.memory_space<vmem>>[vector<16xi32>], vector<16xf32>,
      %parallel_loop3A_151 = arith.constant 9 : i32
      %parallel_loop3A_152 = vector.broadcast %parallel_loop3A_151 : i32 to vector<16xi32>
      %parallel_loop3A_153 = tpu.vector_load_idx %arg7[%parallel_loop3A_33, %parallel_loop3A_152] : memref<65x16xf32, #tpu.memory_space<vmem>>[vector<16xi32>, vector<16xi32>], vector<16xf32>,
      %parallel_loop3A_154 = arith.constant 9 : i32
      %parallel_loop3A_155 = vector.broadcast %parallel_loop3A_154 : i32 to vector<16xi32>
      %parallel_loop3A_156 = arith.addi %parallel_loop3A_60, %parallel_loop3A_155 : vector<16xi32>
      tpu.vector_store_idx %arg9[%parallel_loop3A_156], %parallel_loop3A_153 : memref<32768xf32, #tpu.memory_space<vmem>>[vector<16xi32>], vector<16xf32>,
      %parallel_loop3A_157 = tpu.vector_load_idx %arg8[%parallel_loop3A_57, %parallel_loop3A_152] : memref<561x16xf32, #tpu.memory_space<vmem>>[vector<16xi32>, vector<16xi32>], vector<16xf32>,
      %parallel_loop3A_158 = arith.constant 25 : i32
      %parallel_loop3A_159 = vector.broadcast %parallel_loop3A_158 : i32 to vector<16xi32>
      %parallel_loop3A_160 = arith.addi %parallel_loop3A_60, %parallel_loop3A_159 : vector<16xi32>
      tpu.vector_store_idx %arg9[%parallel_loop3A_160], %parallel_loop3A_157 : memref<32768xf32, #tpu.memory_space<vmem>>[vector<16xi32>], vector<16xf32>,
      %parallel_loop3A_161 = arith.constant 10 : i32
      %parallel_loop3A_162 = vector.broadcast %parallel_loop3A_161 : i32 to vector<16xi32>
      %parallel_loop3A_163 = tpu.vector_load_idx %arg7[%parallel_loop3A_33, %parallel_loop3A_162] : memref<65x16xf32, #tpu.memory_space<vmem>>[vector<16xi32>, vector<16xi32>], vector<16xf32>,
      %parallel_loop3A_164 = arith.constant 10 : i32
      %parallel_loop3A_165 = vector.broadcast %parallel_loop3A_164 : i32 to vector<16xi32>
      %parallel_loop3A_166 = arith.addi %parallel_loop3A_60, %parallel_loop3A_165 : vector<16xi32>
      tpu.vector_store_idx %arg9[%parallel_loop3A_166], %parallel_loop3A_163 : memref<32768xf32, #tpu.memory_space<vmem>>[vector<16xi32>], vector<16xf32>,
      %parallel_loop3A_167 = tpu.vector_load_idx %arg8[%parallel_loop3A_57, %parallel_loop3A_162] : memref<561x16xf32, #tpu.memory_space<vmem>>[vector<16xi32>, vector<16xi32>], vector<16xf32>,
      %parallel_loop3A_168 = arith.constant 26 : i32
      %parallel_loop3A_169 = vector.broadcast %parallel_loop3A_168 : i32 to vector<16xi32>
      %parallel_loop3A_170 = arith.addi %parallel_loop3A_60, %parallel_loop3A_169 : vector<16xi32>
      tpu.vector_store_idx %arg9[%parallel_loop3A_170], %parallel_loop3A_167 : memref<32768xf32, #tpu.memory_space<vmem>>[vector<16xi32>], vector<16xf32>,
      %parallel_loop3A_171 = arith.constant 11 : i32
      %parallel_loop3A_172 = vector.broadcast %parallel_loop3A_171 : i32 to vector<16xi32>
      %parallel_loop3A_173 = tpu.vector_load_idx %arg7[%parallel_loop3A_33, %parallel_loop3A_172] : memref<65x16xf32, #tpu.memory_space<vmem>>[vector<16xi32>, vector<16xi32>], vector<16xf32>,
      %parallel_loop3A_174 = arith.constant 11 : i32
      %parallel_loop3A_175 = vector.broadcast %parallel_loop3A_174 : i32 to vector<16xi32>
      %parallel_loop3A_176 = arith.addi %parallel_loop3A_60, %parallel_loop3A_175 : vector<16xi32>
      tpu.vector_store_idx %arg9[%parallel_loop3A_176], %parallel_loop3A_173 : memref<32768xf32, #tpu.memory_space<vmem>>[vector<16xi32>], vector<16xf32>,
      %parallel_loop3A_177 = tpu.vector_load_idx %arg8[%parallel_loop3A_57, %parallel_loop3A_172] : memref<561x16xf32, #tpu.memory_space<vmem>>[vector<16xi32>, vector<16xi32>], vector<16xf32>,
      %parallel_loop3A_178 = arith.constant 27 : i32
      %parallel_loop3A_179 = vector.broadcast %parallel_loop3A_178 : i32 to vector<16xi32>
      %parallel_loop3A_180 = arith.addi %parallel_loop3A_60, %parallel_loop3A_179 : vector<16xi32>
      tpu.vector_store_idx %arg9[%parallel_loop3A_180], %parallel_loop3A_177 : memref<32768xf32, #tpu.memory_space<vmem>>[vector<16xi32>], vector<16xf32>,
      %parallel_loop3A_181 = arith.constant 12 : i32
      %parallel_loop3A_182 = vector.broadcast %parallel_loop3A_181 : i32 to vector<16xi32>
      %parallel_loop3A_183 = tpu.vector_load_idx %arg7[%parallel_loop3A_33, %parallel_loop3A_182] : memref<65x16xf32, #tpu.memory_space<vmem>>[vector<16xi32>, vector<16xi32>], vector<16xf32>,
      %parallel_loop3A_184 = arith.constant 12 : i32
      %parallel_loop3A_185 = vector.broadcast %parallel_loop3A_184 : i32 to vector<16xi32>
      %parallel_loop3A_186 = arith.addi %parallel_loop3A_60, %parallel_loop3A_185 : vector<16xi32>
      tpu.vector_store_idx %arg9[%parallel_loop3A_186], %parallel_loop3A_183 : memref<32768xf32, #tpu.memory_space<vmem>>[vector<16xi32>], vector<16xf32>,
      %parallel_loop3A_187 = tpu.vector_load_idx %arg8[%parallel_loop3A_57, %parallel_loop3A_182] : memref<561x16xf32, #tpu.memory_space<vmem>>[vector<16xi32>, vector<16xi32>], vector<16xf32>,
      %parallel_loop3A_188 = arith.constant 28 : i32
      %parallel_loop3A_189 = vector.broadcast %parallel_loop3A_188 : i32 to vector<16xi32>
      %parallel_loop3A_190 = arith.addi %parallel_loop3A_60, %parallel_loop3A_189 : vector<16xi32>
      tpu.vector_store_idx %arg9[%parallel_loop3A_190], %parallel_loop3A_187 : memref<32768xf32, #tpu.memory_space<vmem>>[vector<16xi32>], vector<16xf32>,
      %parallel_loop3A_191 = arith.constant 13 : i32
      %parallel_loop3A_192 = vector.broadcast %parallel_loop3A_191 : i32 to vector<16xi32>
      %parallel_loop3A_193 = tpu.vector_load_idx %arg7[%parallel_loop3A_33, %parallel_loop3A_192] : memref<65x16xf32, #tpu.memory_space<vmem>>[vector<16xi32>, vector<16xi32>], vector<16xf32>,
      %parallel_loop3A_194 = arith.constant 13 : i32
      %parallel_loop3A_195 = vector.broadcast %parallel_loop3A_194 : i32 to vector<16xi32>
      %parallel_loop3A_196 = arith.addi %parallel_loop3A_60, %parallel_loop3A_195 : vector<16xi32>
      tpu.vector_store_idx %arg9[%parallel_loop3A_196], %parallel_loop3A_193 : memref<32768xf32, #tpu.memory_space<vmem>>[vector<16xi32>], vector<16xf32>,
      %parallel_loop3A_197 = tpu.vector_load_idx %arg8[%parallel_loop3A_57, %parallel_loop3A_192] : memref<561x16xf32, #tpu.memory_space<vmem>>[vector<16xi32>, vector<16xi32>], vector<16xf32>,
      %parallel_loop3A_198 = arith.constant 29 : i32
      %parallel_loop3A_199 = vector.broadcast %parallel_loop3A_198 : i32 to vector<16xi32>
      %parallel_loop3A_200 = arith.addi %parallel_loop3A_60, %parallel_loop3A_199 : vector<16xi32>
      tpu.vector_store_idx %arg9[%parallel_loop3A_200], %parallel_loop3A_197 : memref<32768xf32, #tpu.memory_space<vmem>>[vector<16xi32>], vector<16xf32>,
      %parallel_loop3A_201 = arith.constant 14 : i32
      %parallel_loop3A_202 = vector.broadcast %parallel_loop3A_201 : i32 to vector<16xi32>
      %parallel_loop3A_203 = tpu.vector_load_idx %arg7[%parallel_loop3A_33, %parallel_loop3A_202] : memref<65x16xf32, #tpu.memory_space<vmem>>[vector<16xi32>, vector<16xi32>], vector<16xf32>,
      %parallel_loop3A_204 = arith.constant 14 : i32
      %parallel_loop3A_205 = vector.broadcast %parallel_loop3A_204 : i32 to vector<16xi32>
      %parallel_loop3A_206 = arith.addi %parallel_loop3A_60, %parallel_loop3A_205 : vector<16xi32>
      tpu.vector_store_idx %arg9[%parallel_loop3A_206], %parallel_loop3A_203 : memref<32768xf32, #tpu.memory_space<vmem>>[vector<16xi32>], vector<16xf32>,
      %parallel_loop3A_207 = tpu.vector_load_idx %arg8[%parallel_loop3A_57, %parallel_loop3A_202] : memref<561x16xf32, #tpu.memory_space<vmem>>[vector<16xi32>, vector<16xi32>], vector<16xf32>,
      %parallel_loop3A_208 = arith.constant 30 : i32
      %parallel_loop3A_209 = vector.broadcast %parallel_loop3A_208 : i32 to vector<16xi32>
      %parallel_loop3A_210 = arith.addi %parallel_loop3A_60, %parallel_loop3A_209 : vector<16xi32>
      tpu.vector_store_idx %arg9[%parallel_loop3A_210], %parallel_loop3A_207 : memref<32768xf32, #tpu.memory_space<vmem>>[vector<16xi32>], vector<16xf32>,
      %parallel_loop3A_211 = arith.constant 15 : i32
      %parallel_loop3A_212 = vector.broadcast %parallel_loop3A_211 : i32 to vector<16xi32>
      %parallel_loop3A_213 = tpu.vector_load_idx %arg7[%parallel_loop3A_33, %parallel_loop3A_212] : memref<65x16xf32, #tpu.memory_space<vmem>>[vector<16xi32>, vector<16xi32>], vector<16xf32>,
      %parallel_loop3A_214 = arith.constant 15 : i32
      %parallel_loop3A_215 = vector.broadcast %parallel_loop3A_214 : i32 to vector<16xi32>
      %parallel_loop3A_216 = arith.addi %parallel_loop3A_60, %parallel_loop3A_215 : vector<16xi32>
      tpu.vector_store_idx %arg9[%parallel_loop3A_216], %parallel_loop3A_213 : memref<32768xf32, #tpu.memory_space<vmem>>[vector<16xi32>], vector<16xf32>,
      %parallel_loop3A_217 = tpu.vector_load_idx %arg8[%parallel_loop3A_57, %parallel_loop3A_212] : memref<561x16xf32, #tpu.memory_space<vmem>>[vector<16xi32>, vector<16xi32>], vector<16xf32>,
      %parallel_loop3A_218 = arith.constant 31 : i32
      %parallel_loop3A_219 = vector.broadcast %parallel_loop3A_218 : i32 to vector<16xi32>
      %parallel_loop3A_220 = arith.addi %parallel_loop3A_60, %parallel_loop3A_219 : vector<16xi32>
      tpu.vector_store_idx %arg9[%parallel_loop3A_220], %parallel_loop3A_217 : memref<32768xf32, #tpu.memory_space<vmem>>[vector<16xi32>], vector<16xf32>,
    } {sc.loop_unroll_factor = 1 : i64, sc.parallel_access}
    %mul3A_8 = arith.constant 32 : i32
    %mul3A_9 = arith.muli %mul3A_2, %mul3A_8 : i32
    "tpu.region"() ({
      %run_scoped3A = tpu.sem_alloc : memref<!tpu.dma_semaphore, #tpu.memory_space<semaphore_mem>>
      %dma_start3A = tpu.memref_slice %arg5[%mul3A_9] : memref<524288xf32, #tpu.memory_space<hbm>> -> memref<32768xf32, #tpu.memory_space<hbm>>
      %dma_start3A_10 = tpu.memref_slice %arg5[%mul3A_9] : memref<524288xf32, #tpu.memory_space<hbm>> -> memref<32768xf32, #tpu.memory_space<hbm>>
      tpu.enqueue_dma source(%arg9 : memref<32768xf32, #tpu.memory_space<vmem>>) target(%dma_start3A_10 : memref<32768xf32, #tpu.memory_space<hbm>>) target_semaphore(%run_scoped3A : memref<!tpu.dma_semaphore, #tpu.memory_space<semaphore_mem>>)
      %dma_wait3A = tpu.memref_slice %arg5[%mul3A_9] : memref<524288xf32, #tpu.memory_space<hbm>> -> memref<32768xf32, #tpu.memory_space<hbm>>
      %dma_wait3A_11 = tpu.memref_slice %arg5[%mul3A_9] : memref<524288xf32, #tpu.memory_space<hbm>> -> memref<32768xf32, #tpu.memory_space<hbm>>
      tpu.wait_dma2 semaphore(%run_scoped3A : memref<!tpu.dma_semaphore, #tpu.memory_space<semaphore_mem>>) src(%arg9 : memref<32768xf32, #tpu.memory_space<vmem>>) dst(%dma_wait3A_11 : memref<32768xf32, #tpu.memory_space<hbm>>)
      tpu.yield
    }) : () -> ()
    return
  }
}

module attributes {stable_mosaic.version = 14 : i64} {
  func.func @_tc_pass_body(%arg0: i32, %arg1: memref<2048x40xf32, #tpu.memory_space<vmem>>, %arg2: memref<2048x37xf32, #tpu.memory_space<vmem>>) attributes {dimension_semantics = [#tpu.dimension_semantics<arbitrary>], iteration_bounds = array<i64: 8>, scalar_prefetch = 0 : i64, scratch_operands = 0 : i64, tpu.core_type = #tpu.core_type<tc>, window_params = [{transform_indices = @transform_0, window_bounds = array<i64: 2048, 40>}, {transform_indices = @transform_1, window_bounds = array<i64: 2048, 37>}]} {
    %get3A = arith.constant 0 : index
    %get3A_0 = arith.constant 3 : index
    %get3A_1 = vector.load %arg1[%get3A, %get3A_0] : memref<2048x40xf32, #tpu.memory_space<vmem>>, vector<2048x37xf32>
    %swap3A = arith.constant 0 : index
    %swap3A_2 = arith.constant 0 : index
    %swap3A_3 = vector.load %arg2[%swap3A, %swap3A_2] : memref<2048x37xf32, #tpu.memory_space<vmem>>, vector<2048x37xf32>
    tpu.vector_store %arg2[%swap3A, %swap3A_2], %get3A_1 {strides = array<i32>} : memref<2048x37xf32, #tpu.memory_space<vmem>>, vector<2048x37xf32>,
    return
  }
  func.func @transform_0(%arg0: i32) -> (i32, i32) {
    %c0_i32 = arith.constant 0 : i32
    %c0_i32_0 = arith.constant 0 : i32
    return %arg0, %c0_i32 : i32, i32
  }
  func.func @transform_1(%arg0: i32) -> (i32, i32) {
    %c0_i32 = arith.constant 0 : i32
    %c0_i32_0 = arith.constant 0 : i32
    return %arg0, %c0_i32 : i32, i32
  }
}

</mosaic_0001>

<sc_bundles>
// kernel: kernel.4.cloned.1.call-start
scs
__scs_entry_jumppad:
0x0: {  	(pc) =	sbr.rel $0x88, $3  }
0x1: {  	(tag) =	ssettag $0x0;
	lr =	simm.s32 $0x1  }
0x2: {  	[smem:$0x3F9D] =	sst lr;
	_ =	strace $0xD0000000  }
0x3: {  	_ = 	snop  }
0x4: {  	_ = 	snop  }
0x5: {  	_ = 	snop  }
0x6: {  	_ = 	snop  }
0x7: {  	_ = 	snop  }
__scs_overlays_trampoline_lowered:
0x8: {  	[smem:$0x3FAC] =	sst s0  }
0x9: {  	[smem:$0x3FAD] =	sst s1  }
0xa: {  	[smem:$0x3FAE] =	sst s2  }
0xb: {  	[smem:$0x3FAF] =	sst s3  }
0xc: {  	[smem:$0x3FB0] =	sst s4  }
0xd: {  	[smem:$0x3FB1] =	sst s5  }
0xe: {  	[smem:$0x3FB2] =	sst s6  }
0xf: {  	[smem:$0x3FB3] =	sst s7  }
0x10: {  	[smem:$0x3FB4] =	sst s8  }
0x11: {  	[smem:$0x3FB5] =	sst s9;
	s0 =	simm.s32 @!p0 $0x0  }
0x12: {  	s1 =	sld [smem:$0x3F9B];
	s0 =	simm.s32 @p0 $0x1  }
0x13: {  	[smem:$0x3FB6] =	sst s0;
	s0 =	simm.s32 @!p1 $0x0  }
0x14: {  	s2 =	sld [smem:$0x3F9A];
	s0 =	simm.s32 @p1 $0x1  }
0x15: {  	[smem:$0x3FB7] =	sst s0;
	s0 =	simm.s32 @!p2 $0x0  }
0x16: {  	s3 =	sld [smem:$0x3FDB];
	s0 =	simm.s32 @p2 $0x1  }
0x17: {  	s4 =	simm.s32 $0x1BF5;
	[smem:$0x3FB9] =	sst s0  }
0x18: {  	s0 =	sld [smem:$0x3F9C];
	_ =	swait.ge [sflag:s4], $0x0  }
0x19: {  	s7 =	sld [smem:$0x3F9D]  }
0x1a: {  	s8 =	sadd.s32 $0xFFFFE003, lr  }
0x1b: {  	s9 =	sadd.s32 $0xFFFFFEF7, lr;
	s5 =	simm.s32 $0xFFFFFFFF;
	p2 =	slt.u32 s8, $0xFFFFF086  }
0x1c: {  	p1 =	slt.u32 s9, $0xF7A;
	s5 =	simm.s32 @!p2 $0x0  }
0x1d: {  	s5 =	simm.s32 @p1 $0x1;
	p0 =	seq.s32 s7, s2  }
0x1e: {  	s7 =	smul.u32 @!p0 $0xF7A, s2;
	p2 =	seq.s32 @!p0 s5, $0x0  }
0x1f: {  	s9 =	smul.u32 $0xF7A, s1;
	s8 =	simm.s32 @!p0 $0x1BF5;
	p2 =	por !p2, p0  }
0x20: {  	[sflag:s8] =	ssyncset.s32 @!p0 $0xFFFFF086;
	s6 =	sadd.s32 @!p0 s3, s7;
	s7 =	simm.s32 @!p0 $0x108  }
0x21: {  	s3 =	sadd.s32 s3, s9;
	s6 =	sadd.s32 @!p0 $0x88, s6;
	s7 =	simm.s32 @p2 $0x1082  }
0x22: {  	[simem:s7], [sflag:s8] =	dma.local @!p0 [hbm:s6], $0xF7A  }
0x23: {  	s9 =	sor.u32 $0xD0000000, s2;
	s6 =	simm.s32 $0x108;
	_ =	swait.ge @!p0 [sflag:s8], $0x0  }
0x24: {  	s3 =	sadd.s32 $0x88, s3;
	s6 =	simm.s32 @!p1 $0x1082;
	[sflag:s4] =	ssyncset.s32 $0xFFFFF086  }
0x25: {  	[simem:s6], [sflag:s4] =	dma.local [hbm:s3], $0xF7A  }
0x26: {  	[smem:$0x3F9D] =	sst s1;
	(tag) =	ssettag s2;
	_ =	strace s9  }
0x27: {  	s1 =	sld [smem:$0x3FAD]  }
0x28: {  	s2 =	sld [smem:$0x3FAE]  }
0x29: {  	s4 =	sld [smem:$0x3FB0]  }
0x2a: {  	p0 =	seq.s32 s5, $0x0;
	s5 =	sld [smem:$0x3FB1]  }
0x2b: {  	s6 =	sld [smem:$0x3FB2]  }
0x2c: {  	s7 =	sld [smem:$0x3FB3]  }
0x2d: {  	s3 =	simm.s32 $0x108;
	s8 =	sld [smem:$0x3FB4]  }
0x2e: {  	s3 =	simm.s32 @!p0 $0x1082;
	s9 =	sld [smem:$0x3FB5]  }
0x2f: {  	lr =	sadd.s32 s0, s3;
	s0 =	sld [smem:$0x3FAC]  }
0x30: {  	s3 =	sld [smem:$0x3FAF]  }
0x31: {  	[smem:$0x3FB8] =	sst s10  }
0x32: {  	s10 =	sld [smem:$0x3FB6];
	_ =	sdelay $0x3  }
0x33: {  	p0 =	seq.s32 s10, $0x1;
	s10 =	sld [smem:$0x3FB8];
	_ =	sdelay $0x3  }
0x34: {  	[smem:$0x3FB8] =	sst s10  }
0x35: {  	s10 =	sld [smem:$0x3FB7];
	_ =	sdelay $0x3  }
0x36: {  	p1 =	seq.s32 s10, $0x1;
	s10 =	sld [smem:$0x3FB8];
	_ =	sdelay $0x3  }
0x37: {  	[smem:$0x3FB8] =	sst s10  }
0x38: {  	s10 =	sld [smem:$0x3FB9]  }
0x39: {  	_ = 	snop;
	(pc) =	sbr.ind lr, $3  }
0x3a: {  	_ = 	snop  }
0x3b: {  	_ = 	snop  }
0x3c: {  	p2 =	seq.s32 s10, $0x1;
	s10 =	sld [smem:$0x3FB8]  }
0x3d: {  	_ =	shalt  }
0x3e: {  	_ =	shalt  }
0x3f: {  	_ =	shalt  }
0x40: {  	_ =	shalt  }
0x41: {  	_ =	shalt  }
0x42: {  	_ =	shalt  }
0x43: {  	_ =	shalt  }
0x44: {  	_ =	shalt  }
0x45: {  	_ =	shalt  }
0x46: {  	_ =	shalt  }
0x47: {  	_ =	shalt  }
0x48: {  	_ =	shalt  }
0x49: {  	_ =	shalt  }
0x4a: {  	_ =	shalt  }
0x4b: {  	_ =	shalt  }
0x4c: {  	_ =	shalt  }
0x4d: {  	_ =	shalt  }
0x4e: {  	_ =	shalt  }
0x4f: {  	_ =	shalt  }
0x50: {  	_ =	shalt  }
0x51: {  	_ =	shalt  }
0x52: {  	_ =	shalt  }
0x53: {  	_ =	shalt  }
0x54: {  	_ =	shalt  }
0x55: {  	_ =	shalt  }
0x56: {  	_ =	shalt  }
0x57: {  	_ =	shalt  }
0x58: {  	_ =	shalt  }
0x59: {  	_ =	shalt  }
0x5a: {  	_ =	shalt  }
0x5b: {  	_ =	shalt  }
0x5c: {  	_ =	shalt  }
0x5d: {  	_ =	shalt  }
0x5e: {  	_ =	shalt  }
0x5f: {  	_ =	shalt  }
0x60: {  	_ =	shalt  }
0x61: {  	_ =	shalt  }
0x62: {  	_ =	shalt  }
0x63: {  	_ =	shalt  }
0x64: {  	_ =	shalt  }
0x65: {  	_ =	shalt  }
0x66: {  	_ =	shalt  }
0x67: {  	_ =	shalt  }
0x68: {  	_ =	shalt  }
0x69: {  	_ =	shalt  }
0x6a: {  	_ =	shalt  }
0x6b: {  	_ =	shalt  }
0x6c: {  	_ =	shalt  }
0x6d: {  	_ =	shalt  }
0x6e: {  	_ =	shalt  }
0x6f: {  	_ =	shalt  }
0x70: {  	_ =	shalt  }
0x71: {  	_ =	shalt  }
0x72: {  	_ =	shalt  }
0x73: {  	_ =	shalt  }
0x74: {  	_ =	shalt  }
0x75: {  	_ =	shalt  }
0x76: {  	_ =	shalt  }
0x77: {  	_ =	shalt  }
0x78: {  	_ =	shalt  }
0x79: {  	_ =	shalt  }
0x7a: {  	_ =	shalt  }
0x7b: {  	_ =	shalt  }
0x7c: {  	_ =	shalt  }
0x7d: {  	_ =	shalt  }
0x7e: {  	_ =	shalt  }
0x7f: {  	_ =	shalt  }
0x80: {  	_ =	shalt  }
0x81: {  	_ =	shalt  }
0x82: {  	_ =	shalt  }
0x83: {  	_ =	shalt  }
0x84: {  	_ =	shalt  }
0x85: {  	_ =	shalt  }
0x86: {  	_ =	shalt  }
0x87: {  	_ =	shalt  }
.Lfunc_end0:
.L_simem_size_0:
called_computation_lowered:
.L_overlay_start_0:
0x88: {  	s0 =	sld [smem:$0x3FD9]  }
0x89: {  	s1 =	sld [smem:$0x3FFE];
	_ =	sdelay $0x3  }
0x8a: {  	s0 =	sadd.s32 s1, s0  }
0x8b: {  	[smem:$0x3FC4] =	sst s0  }
0x8c: {  	_ = 	snop  }
0x8d: {  	s0 =	sld [smem:$0x3FD0];
	(tm) =	ssettm $0x1  }
0x8e: {  	s16 =	sld [smem:$0x3FFB];
	_ =	sdelay $0x3  }
0x8f: {  	_ =	strace s16  }
0x90: {  	s1 =	sld [smem:$0x3FFC];
	_ =	sdelay $0x3  }
0x91: {  	_ =	strace s1  }
0x92: {  	s1 =	sld [smem:$0x3FFD];
	_ =	sdelay $0x3  }
0x93: {  	_ =	strace s1  }
0x94: {  	_ =	strace $0x8FFFFFFF  }
0x95: {  	s17 =	sld [smem:$0x3FDB];
	_ =	sdelay $0x1  }
0x96: {  	s2 =	simm.s32 $_scs_section_size  }
0x97: {  	s3 =	simm.s32 $_size__tile_overlayer_lowered;
	s4 =	simm.s32 $_tile_overlayer_lowered  }
0x98: {  	s20 =	simm.s32 $0x1BFF;
	s19 =	sshll.u32 s4, $0x1;
	s1 =	sadd.s32 s2, s17  }
0x99: {  	s5 =	simm.s32 $0x0;
	s18 =	sshll.u32 s3, $0x1;
	s3 =	sadd.s32 s19, s1  }
0x9a: {  	[timem:s5], [sflag:s20] =	dma.local [hbm:s3], s18  }
0x9b: {  	_ =	swait.ge [sflag:s20], s18  }
0x9c: {  	s2 =	ssub.s32 $0x0, s18;
	[sflag:s20] =	ssyncset.done $0x0  }
0x9d: {  	[sflag:s20] =	ssyncadd.s32 s2;
	_ =	sdelay $0x1  }
0x9e: {  	s21 =	simm.s32 $0x1B8B  }
0x9f: {  	_ =	swait.ge [sflag:s21], $0x1  }
0xa0: {  	[sflag:s21] =	ssyncset.done $0x0  }
0xa1: {  	s23 =	simm.s32 $0x1B8E;
	s22 =	sld [smem:$0x3FFE];
	[sflag:s21] =	ssyncadd.s32 $0xFFFFFFFF  }
0xa2: {  	s24 =	simm.s32 $execute0_lowered;
	[smem:$0x3FD2] =	sst s23  }
0xa3: {  	s3 =	sshll.u32 s24, $0x1;
	_ =	strace $0x80000046;
	[dreg:$0x1] =	wrdreg $0xFFFFFFFF  }
0xa4: {  	s25 =	simm.s32 $_size_execute0_lowered;
	s1 =	sadd.s32 s1, s3;
	[dreg:$0x0] =	wrdreg $0x0  }
0xa5: {  	s3 =	sshll.u32 s25, $0x1;
	[dreg:$0x2] =	wrdreg s1  }
0xa6: {  	[dreg:$0x3] =	wrdreg s3  }
0xa7: {  	[dreg:$0x4] =	wrdreg $0xC0  }
0xa8: {  	_ =	task [dreg:s5], $0x5FFFF  }
0xa9: {  	[dreg:$0x1] =	wrdreg $0xFFFFFFFF  }
0xaa: {  	[dreg:$0x0] =	wrdreg $0x60  }
0xab: {  	[dreg:$0x2] =	wrdreg s22  }
0xac: {  	[dreg:$0x3] =	wrdreg s0  }
0xad: {  	[dreg:$0x4] =	wrdreg $0x9  }
0xae: {  	_ =	task.clear_ibuf [dreg:s5], $0x5FFFF;
	_ =	strace $0x90000046  }
0xaf: {  	s26 =	simm.s32 $0x9;
	_ =	strace $0x80000048  }
0xb0: {  	_ =	swait.ge [sflag:s26], $0x1  }
0xb1: {  	[sflag:s26] =	ssyncadd.s32 $0xFFFFFFFF  }
0xb2: {  	_ =	strace $0x90000048  }
0xb3: {  	_ =	sfence  }
0xb4: {  	s28 =	sld [smem:$0x0];
	_ =	sdelay $0x1  }
0xb5: {  	s29 =	srdreg.scid  }
0xb6: {  	s30 =	sshll.u32 s29, $0xD;
	s31 =	sshrl.u32 s29, $0x2  }
0xb7: {  	s2 =	sand.u32 $0x4000, s30;
	s1 =	sand.u32 $0x1, s29;
	s0 =	sadd.s32 s31, s28  }
0xb8: {  	s1 =	sor.u32 s2, s1;
	s0 =	sshll.u32 s0, $0x11  }
0xb9: {  	s0 =	sor.u32 s0, s1  }
0xba: {  	s0 =	sadd.s32 $0x8F2B, s0  }
0xbb: {  	[sflag:s0] =	ssyncadd.remote.s32 $0x1  }
0xbc: {  	_ =	sfence.sel $0xFFFF  }
0xbd: {  	[dreg:$0x0] =	wrdreg $0xFFFFFFFF;
	(pc) =	sbr.abs _section_cstart, $3  }
0xbe: {  	[dreg:$0x1] =	wrdreg $0xFFFFFFFF  }
0xbf: {  	_ =	task.clear_ibuf [dreg:s5], $0x2FFFF;
	_ =	strace $0x9FFFFFFF  }
0xc0: {  	(tm) =	ssettm $0x7FFFFFFF  }
0xc1: {  	_ =	shalt  }
tec
execute0_lowered:
.L_overlay_start_1:
0x0: {  	(tag) =	ssettag $0x1  }
0x1: {  	s3 =	rddreg [dreg:$0x0]  }
0x2: {  	s2 =	rddreg [dreg:$0x1];
	s1 =	stileid.u32  }
0x3: {  	s0 =	rddreg [dreg:$0x2];
	s6 =	simm.s32 $0x0;
	s4 =	sshll.u32 s1, $0xA  }
0x4: {  	[smem:$0x7FF] =	sst s6;
	s4 =	sadd.s32 s4, s3  }
0x5: {  	s5 =	simm.s32 $0x1;
	_ =	strace $0x80000047;
	s4 =	sadd.s32 $0xC00, s4  }
0x6: {  	[tilespmem:s6], [sflag:$0x1] =	stream.linear.gather [hbm4b:s4+s6], $0x2000, $0x38;
	[tilespmem:$0xC720] =	vst v63  }
0x7: {  	_ =	swait.ge [sflag:s5], $0x2000  }
0x8: {  	[sflag:s5] =	ssyncset.done $0x0  }
0x9: {  	s7 =	sadd.s32 $0x400, s3;
	s4 =	simm.s32 $0x2000;
	[sflag:s5] =	ssyncadd.s32 $0xFFFFE000  }
0xa: {  	[tilespmem:s4], [sflag:$0x1] =	stream.linear.gather [hbm4b:s7+s6], $0x410, $0x38;
	[tilespmem:$0xC720] =	vst v63  }
0xb: {  	v18 =	vlaneseq.u32;
	_ =	swait.ge [sflag:s5], $0x410  }
0xc: {  	v0 =	vor.u32 s6, v18;
	[sflag:s5] =	ssyncset.done $0x0  }
0xd: {  	s24 =	sadd.s32 $0x600, s3;
	s3 =	simm.s32 $0x2410;
	v1 =	vshll.u32 v0, $0x3;
	[sflag:s5] =	ssyncadd.s32 $0xFFFFFBF0  }
0xe: {  	[tilespmem:s3], [sflag:$0x1] =	stream.linear.gather [hbm4b:s24+s6], $0x2310, $0x38;
	[tilespmem:$0xC720] =	vst v63  }
0xf: {  	_ =	swait.ge [sflag:s5], $0x2310  }
0x10: {  	v2 =	vor.u32 $0x1, v1;
	[sflag:s5] =	ssyncset.done $0x0  }
0x11: {  	[sflag:s5] =	ssyncadd.s32 $0xFFFFDCF0  }
0x12: {  	v3 =	vld.idx.msk [tilespmem:v1+s6+$0x0], $0xffff;
	v1 =	vor.u32 $0x2, v1;
	_ =	sdelay $0x2  }
0x13: {  	v2 =	vld.idx.msk [tilespmem:v2+s6+$0x0], $0xffff;
	_ =	sdelay $0x1  }
0x14: {  	v1 =	vld.idx.msk [tilespmem:v1+s6+$0x0], $0xffff;
	v3 =	vtrunc.f32 v3  }
0x15: {  	v3 =	vcvt.f32.s32 v3;
	_ =	sdelay $0x1  }
0x16: {  	v2 =	vtrunc.f32 v2;
	v3 =	vmin.u32 v3, $0x40  }
0x17: {  	v2 =	vcvt.f32.s32 v2;
	v9 =	vshll.u32 v3, $0x4  }
0x18: {  	v1 =	vtrunc.f32 v1  }
0x19: {  	v2 =	vmin.u32 v2, $0x20;
	v1 =	vcvt.f32.s32 v1  }
0x1a: {  	v2 =	vmul.u32 $0x11, v2  }
0x1b: {  	v1 =	vmin.u32 v1, $0x10  }
0x1c: {  	v4 =	vshll.u32 v0, $0x5;
	v3 =	vld.idx.msk [tilespmem:v9+s4+$0x0], $0xffff;
	v1 =	vadd.s32 v1, v2  }
0x1d: {  	v7 =	vshll.u32 v1, $0x4;
	_ =	sdelay $0x2  }
0x1e: {  	s5 =	simm.s32 $0x4720  }
0x1f: {  	[tilespmem:v4+s5+$0x0] =	vst.idx.msk $0xffff, v3  }
0x20: {  	v1 =	vor.u32 $0x10, v4;
	v0 =	vld.idx.msk [tilespmem:v7+s3+$0x0], $0xffff  }
0x21: {  	v2 =	vor.u32 $0x1, v9  }
0x22: {  	s25 =	simm.s32 $0x10  }
0x23: {  	v3 =	vor.u32 s25, v18  }
0x24: {  	v5 =	vshll.u32 v3, $0x3  }
0x25: {  	[tilespmem:v1+s5+$0x0] =	vst.idx.msk $0xffff, v0  }
0x26: {  	v1 =	vor.u32 $0x1, v5;
	v0 =	vld.idx.msk [tilespmem:v2+s4+$0x0], $0xffff;
	v2 =	vor.u32 $0x1, v4  }
0x27: {  	v6 =	vor.u32 $0x1, v7;
	_ =	sdelay $0x1  }
0x28: {  	v8 =	vld.idx.msk [tilespmem:v5+s6+$0x0], $0xffff;
	v5 =	vor.u32 $0x2, v5;
	_ =	sdelay $0x1  }
0x29: {  	v1 =	vld.idx.msk [tilespmem:v1+s6+$0x0], $0xffff;
	[tilespmem:v2+s5+$0x0] =	vst.idx.msk $0xffff, v0  }
0x2a: {  	v2 =	vor.u32 $0x11, v4;
	v0 =	vld.idx.msk [tilespmem:v6+s3+$0x0], $0xffff  }
0x2b: {  	v6 =	vor.u32 $0x2, v9  }
0x2c: {  	v5 =	vld.idx.msk [tilespmem:v5+s6+$0x0], $0xffff;
	v8 =	vtrunc.f32 v8  }
0x2d: {  	v8 =	vcvt.f32.s32 v8;
	_ =	sdelay $0x1  }
0x2e: {  	v1 =	vtrunc.f32 v1;
	[tilespmem:v2+s5+$0x0] =	vst.idx.msk $0xffff, v0;
	v0 =	vmin.u32 v8, $0x40  }
0x2f: {  	v1 =	vcvt.f32.s32 v1;
	v6 =	vld.idx.msk [tilespmem:v6+s4+$0x0], $0xffff;
	v2 =	vshll.u32 v0, $0x4;
	v0 =	vor.u32 $0x2, v4  }
0x30: {  	v5 =	vtrunc.f32 v5;
	v8 =	vor.u32 $0x2, v7  }
0x31: {  	v5 =	vcvt.f32.s32 v5;
	v1 =	vmin.u32 v1, $0x20  }
0x32: {  	v1 =	vmul.u32 $0x11, v1  }
0x33: {  	v5 =	vmin.u32 v5, $0x10  }
0x34: {  	v1 =	vadd.s32 v5, v1;
	v10 =	vld.idx.msk [tilespmem:v2+s4+$0x0], $0xffff;
	[tilespmem:v0+s5+$0x0] =	vst.idx.msk $0xffff, v6;
	v0 =	vshll.u32 v3, $0x5  }
0x35: {  	v5 =	vor.u32 $0x12, v4;
	v1 =	vshll.u32 v1, $0x4;
	v3 =	vld.idx.msk [tilespmem:v8+s3+$0x0], $0xffff  }
0x36: {  	v6 =	vor.u32 $0x3, v9;
	_ =	sdelay $0x2  }
0x37: {  	[tilespmem:v0+s5+$0x0] =	vst.idx.msk $0xffff, v10  }
0x38: {  	v8 =	vld.idx.msk [tilespmem:v1+s3+$0x0], $0xffff;
	[tilespmem:v5+s5+$0x0] =	vst.idx.msk $0xffff, v3;
	v3 =	vor.u32 $0x10, v0  }
0x39: {  	v10 =	vor.u32 $0x1, v2;
	v5 =	vld.idx.msk [tilespmem:v6+s4+$0x0], $0xffff;
	v6 =	vor.u32 $0x3, v4  }
0x3a: {  	s26 =	simm.s32 $0x20;
	v11 =	vor.u32 $0x3, v7  }
0x3b: {  	v12 =	vor.u32 s26, v18  }
0x3c: {  	v13 =	vshll.u32 v12, $0x3  }
0x3d: {  	[tilespmem:v3+s5+$0x0] =	vst.idx.msk $0xffff, v8  }
0x3e: {  	[tilespmem:v6+s5+$0x0] =	vst.idx.msk $0xffff, v5;
	v3 =	vld.idx.msk [tilespmem:v10+s4+$0x0], $0xffff;
	v5 =	vor.u32 $0x1, v13;
	v6 =	vor.u32 $0x1, v0  }
0x3f: {  	v10 =	vor.u32 $0x1, v1;
	v8 =	vld.idx.msk [tilespmem:v11+s3+$0x0], $0xffff;
	v11 =	vor.u32 $0x13, v4  }
0x40: {  	v14 =	vor.u32 $0x4, v9  }
0x41: {  	v15 =	vld.idx.msk [tilespmem:v13+s6+$0x0], $0xffff;
	v13 =	vor.u32 $0x2, v13;
	_ =	sdelay $0x1  }
0x42: {  	v5 =	vld.idx.msk [tilespmem:v5+s6+$0x0], $0xffff;
	[tilespmem:v6+s5+$0x0] =	vst.idx.msk $0xffff, v3  }
0x43: {  	v6 =	vor.u32 $0x11, v0;
	v3 =	vld.idx.msk [tilespmem:v10+s3+$0x0], $0xffff;
	[tilespmem:v11+s5+$0x0] =	vst.idx.msk $0xffff, v8  }
0x44: {  	v10 =	vor.u32 $0x2, v2;
	v11 =	vor.u32 $0x4, v4;
	v8 =	vld.idx.msk [tilespmem:v14+s4+$0x0], $0xffff  }
0x45: {  	v15 =	vtrunc.f32 v15;
	v13 =	vld.idx.msk [tilespmem:v13+s6+$0x0], $0xffff;
	v14 =	vor.u32 $0x4, v7  }
0x46: {  	v15 =	vcvt.f32.s32 v15;
	_ =	sdelay $0x1  }
0x47: {  	v5 =	vtrunc.f32 v5;
	[tilespmem:v6+s5+$0x0] =	vst.idx.msk $0xffff, v3;
	v3 =	vmin.u32 v15, $0x40  }
0x48: {  	v5 =	vcvt.f32.s32 v5;
	v10 =	vld.idx.msk [tilespmem:v10+s4+$0x0], $0xffff;
	[tilespmem:v11+s5+$0x0] =	vst.idx.msk $0xffff, v8;
	v6 =	vshll.u32 v3, $0x4;
	v3 =	vor.u32 $0x2, v0  }
0x49: {  	v13 =	vtrunc.f32 v13;
	v11 =	vor.u32 $0x2, v1;
	v8 =	vld.idx.msk [tilespmem:v14+s3+$0x0], $0xffff;
	v14 =	vor.u32 $0x14, v4  }
0x4a: {  	v15 =	vor.u32 $0x5, v9;
	v13 =	vcvt.f32.s32 v13;
	v5 =	vmin.u32 v5, $0x20  }
0x4b: {  	v5 =	vmul.u32 $0x11, v5  }
0x4c: {  	v13 =	vmin.u32 v13, $0x10  }
0x4d: {  	v5 =	vadd.s32 v13, v5;
	v16 =	vld.idx.msk [tilespmem:v6+s4+$0x0], $0xffff;
	[tilespmem:v3+s5+$0x0] =	vst.idx.msk $0xffff, v10;
	v3 =	vshll.u32 v12, $0x5  }
0x4e: {  	v5 =	vshll.u32 v5, $0x4;
	v10 =	vld.idx.msk [tilespmem:v11+s3+$0x0], $0xffff;
	[tilespmem:v14+s5+$0x0] =	vst.idx.msk $0xffff, v8;
	v8 =	vor.u32 $0x12, v0  }
0x4f: {  	v13 =	vor.u32 $0x5, v4;
	v12 =	vor.u32 $0x3, v2;
	v11 =	vld.idx.msk [tilespmem:v15+s4+$0x0], $0xffff  }
0x50: {  	v14 =	vor.u32 $0x5, v7  }
0x51: {  	s28 =	simm.s32 $0x30  }
0x52: {  	v15 =	vor.u32 s28, v18;
	[tilespmem:v3+s5+$0x0] =	vst.idx.msk $0xffff, v16  }
0x53: {  	v16 =	vshll.u32 v15, $0x3;
	v17 =	vld.idx.msk [tilespmem:v5+s3+$0x0], $0xffff;
	[tilespmem:v8+s5+$0x0] =	vst.idx.msk $0xffff, v10;
	v8 =	vor.u32 $0x10, v3  }
0x54: {  	v10 =	vld.idx.msk [tilespmem:v12+s4+$0x0], $0xffff;
	[tilespmem:v13+s5+$0x0] =	vst.idx.msk $0xffff, v11;
	v11 =	vor.u32 $0x3, v0;
	v12 =	vor.u32 $0x1, v6  }
0x55: {  	v19 =	vor.u32 $0x3, v1;
	v13 =	vld.idx.msk [tilespmem:v14+s3+$0x0], $0xffff;
	v14 =	vor.u32 $0x15, v4  }
0x56: {  	v20 =	vor.u32 $0x6, v9;
	_ =	sdelay $0x1  }
0x57: {  	v22 =	vor.u32 $0x2, v16;
	v21 =	vld.idx.msk [tilespmem:v16+s6+$0x0], $0xffff;
	[tilespmem:v8+s5+$0x0] =	vst.idx.msk $0xffff, v17  }
0x58: {  	[tilespmem:v11+s5+$0x0] =	vst.idx.msk $0xffff, v10;
	v8 =	vld.idx.msk [tilespmem:v12+s4+$0x0], $0xffff;
	v10 =	vor.u32 $0x1, v16;
	v11 =	vor.u32 $0x1, v3  }
0x59: {  	[tilespmem:v14+s5+$0x0] =	vst.idx.msk $0xffff, v13;
	v12 =	vld.idx.msk [tilespmem:v19+s3+$0x0], $0xffff;
	v13 =	vor.u32 $0x1, v5;
	v14 =	vor.u32 $0x13, v0  }
0x5a: {  	v17 =	vor.u32 $0x4, v2;
	v19 =	vor.u32 $0x6, v4;
	v16 =	vld.idx.msk [tilespmem:v20+s4+$0x0], $0xffff  }
0x5b: {  	v20 =	vor.u32 $0x6, v7  }
0x5c: {  	v22 =	vld.idx.msk [tilespmem:v22+s6+$0x0], $0xffff  }
0x5d: {  	v10 =	vld.idx.msk [tilespmem:v10+s6+$0x0], $0xffff;
	[tilespmem:v11+s5+$0x0] =	vst.idx.msk $0xffff, v8  }
0x5e: {  	v11 =	vor.u32 $0x11, v3;
	v8 =	vld.idx.msk [tilespmem:v13+s3+$0x0], $0xffff;
	[tilespmem:v14+s5+$0x0] =	vst.idx.msk $0xffff, v12  }
0x5f: {  	v13 =	vor.u32 $0x2, v6;
	v14 =	vor.u32 $0x4, v0;
	v12 =	vld.idx.msk [tilespmem:v17+s4+$0x0], $0xffff;
	[tilespmem:v19+s5+$0x0] =	vst.idx.msk $0xffff, v16;
	v16 =	vtrunc.f32 v21  }
0x60: {  	v19 =	vor.u32 $0x4, v1;
	v17 =	vld.idx.msk [tilespmem:v20+s3+$0x0], $0xffff;
	v20 =	vor.u32 $0x16, v4;
	v16 =	vcvt.f32.s32 v16  }
0x61: {  	v21 =	vor.u32 $0x7, v9  }
0x62: {  	v16 =	vmin.u32 v16, $0x40  }
0x63: {  	[tilespmem:v11+s5+$0x0] =	vst.idx.msk $0xffff, v8;
	v8 =	vtrunc.f32 v10;
	v11 =	vshll.u32 v16, $0x4  }
0x64: {  	v16 =	vor.u32 $0x14, v0;
	v10 =	vld.idx.msk [tilespmem:v13+s4+$0x0], $0xffff;
	[tilespmem:v14+s5+$0x0] =	vst.idx.msk $0xffff, v12;
	v12 =	vor.u32 $0x2, v3;
	v8 =	vcvt.f32.s32 v8  }
0x65: {  	v13 =	vor.u32 $0x2, v5;
	v14 =	vld.idx.msk [tilespmem:v19+s3+$0x0], $0xffff;
	[tilespmem:v20+s5+$0x0] =	vst.idx.msk $0xffff, v17;
	v17 =	vtrunc.f32 v22;
	v19 =	vor.u32 $0x5, v2  }
0x66: {  	v20 =	vld.idx.msk [tilespmem:v21+s4+$0x0], $0xffff;
	v21 =	vor.u32 $0x7, v4;
	v17 =	vcvt.f32.s32 v17;
	v8 =	vmin.u32 v8, $0x20  }
0x67: {  	v22 =	vor.u32 $0x7, v7;
	v8 =	vmul.u32 $0x11, v8  }
0x68: {  	v17 =	vmin.u32 v17, $0x10  }
0x69: {  	v23 =	vld.idx.msk [tilespmem:v11+s4+$0x0], $0xffff;
	[tilespmem:v12+s5+$0x0] =	vst.idx.msk $0xffff, v10;
	v10 =	vadd.s32 v17, v8;
	v8 =	vshll.u32 v15, $0x5  }
0x6a: {  	v12 =	vld.idx.msk [tilespmem:v13+s3+$0x0], $0xffff;
	[tilespmem:v16+s5+$0x0] =	vst.idx.msk $0xffff, v14;
	v10 =	vshll.u32 v10, $0x4;
	v13 =	vor.u32 $0x12, v3  }
0x6b: {  	v15 =	vor.u32 $0x3, v6;
	v16 =	vor.u32 $0x5, v0;
	v14 =	vld.idx.msk [tilespmem:v19+s4+$0x0], $0xffff;
	[tilespmem:v21+s5+$0x0] =	vst.idx.msk $0xffff, v20  }
0x6c: {  	v19 =	vor.u32 $0x5, v1;
	v20 =	vor.u32 $0x17, v4;
	v17 =	vld.idx.msk [tilespmem:v22+s3+$0x0], $0xffff  }
0x6d: {  	s29 =	simm.s32 $0x40;
	v21 =	vor.u32 $0x8, v9  }
0x6e: {  	v22 =	vor.u32 s29, v18;
	[tilespmem:v8+s5+$0x0] =	vst.idx.msk $0xffff, v23  }
0x6f: {  	v23 =	vshll.u32 v22, $0x3;
	v24 =	vld.idx.msk [tilespmem:v10+s3+$0x0], $0xffff;
	[tilespmem:v13+s5+$0x0] =	vst.idx.msk $0xffff, v12;
	v12 =	vor.u32 $0x10, v8  }
0x70: {  	v13 =	vld.idx.msk [tilespmem:v15+s4+$0x0], $0xffff;
	[tilespmem:v16+s5+$0x0] =	vst.idx.msk $0xffff, v14;
	v14 =	vor.u32 $0x3, v3;
	v15 =	vor.u32 $0x1, v11  }
0x71: {  	v16 =	vld.idx.msk [tilespmem:v19+s3+$0x0], $0xffff;
	[tilespmem:v20+s5+$0x0] =	vst.idx.msk $0xffff, v17;
	v17 =	vor.u32 $0x15, v0;
	v19 =	vor.u32 $0x3, v5  }
0x72: {  	v25 =	vor.u32 $0x6, v2;
	v20 =	vld.idx.msk [tilespmem:v21+s4+$0x0], $0xffff;
	v21 =	vor.u32 $0x8, v4  }
0x73: {  	v26 =	vor.u32 $0x8, v7  }
0x74: {  	v28 =	vor.u32 $0x2, v23;
	v27 =	vld.idx.msk [tilespmem:v23+s6+$0x0], $0xffff;
	[tilespmem:v12+s5+$0x0] =	vst.idx.msk $0xffff, v24  }
0x75: {  	[tilespmem:v14+s5+$0x0] =	vst.idx.msk $0xffff, v13;
	v12 =	vld.idx.msk [tilespmem:v15+s4+$0x0], $0xffff;
	v13 =	vor.u32 $0x1, v23;
	v14 =	vor.u32 $0x1, v8  }
0x76: {  	[tilespmem:v17+s5+$0x0] =	vst.idx.msk $0xffff, v16;
	v15 =	vld.idx.msk [tilespmem:v19+s3+$0x0], $0xffff;
	v16 =	vor.u32 $0x1, v10;
	v17 =	vor.u32 $0x13, v3  }
0x77: {  	[tilespmem:v21+s5+$0x0] =	vst.idx.msk $0xffff, v20;
	v19 =	vld.idx.msk [tilespmem:v25+s4+$0x0], $0xffff;
	v20 =	vor.u32 $0x4, v6;
	v21 =	vor.u32 $0x6, v0  }
0x78: {  	v24 =	vor.u32 $0x6, v1;
	v25 =	vor.u32 $0x18, v4;
	v23 =	vld.idx.msk [tilespmem:v26+s3+$0x0], $0xffff  }
0x79: {  	v26 =	vld.idx.msk [tilespmem:v28+s6+$0x0], $0xffff;
	v28 =	vor.u32 $0x9, v9  }
0x7a: {  	v13 =	vld.idx.msk [tilespmem:v13+s6+$0x0], $0xffff;
	[tilespmem:v14+s5+$0x0] =	vst.idx.msk $0xffff, v12  }
0x7b: {  	v14 =	vor.u32 $0x11, v8;
	v12 =	vld.idx.msk [tilespmem:v16+s3+$0x0], $0xffff;
	[tilespmem:v17+s5+$0x0] =	vst.idx.msk $0xffff, v15  }
0x7c: {  	v16 =	vor.u32 $0x2, v11;
	v17 =	vor.u32 $0x4, v3;
	v15 =	vld.idx.msk [tilespmem:v20+s4+$0x0], $0xffff;
	[tilespmem:v21+s5+$0x0] =	vst.idx.msk $0xffff, v19;
	v19 =	vtrunc.f32 v27  }
0x7d: {  	v21 =	vor.u32 $0x4, v5;
	v20 =	vld.idx.msk [tilespmem:v24+s3+$0x0], $0xffff;
	[tilespmem:v25+s5+$0x0] =	vst.idx.msk $0xffff, v23;
	v23 =	vor.u32 $0x16, v0;
	v19 =	vcvt.f32.s32 v19  }
0x7e: {  	v27 =	vor.u32 $0x9, v4;
	v25 =	vor.u32 $0x7, v2;
	v24 =	vld.idx.msk [tilespmem:v28+s4+$0x0], $0xffff  }
0x7f: {  	v28 =	vor.u32 $0x9, v7;
	v19 =	vmin.u32 v19, $0x40  }
0x80: {  	[tilespmem:v14+s5+$0x0] =	vst.idx.msk $0xffff, v12;
	v12 =	vtrunc.f32 v13;
	v13 =	vshll.u32 v19, $0x4  }
0x81: {  	v19 =	vor.u32 $0x14, v3;
	v14 =	vld.idx.msk [tilespmem:v16+s4+$0x0], $0xffff;
	[tilespmem:v17+s5+$0x0] =	vst.idx.msk $0xffff, v15;
	v15 =	vor.u32 $0x2, v8;
	v12 =	vcvt.f32.s32 v12  }
0x82: {  	v16 =	vor.u32 $0x2, v10;
	v17 =	vld.idx.msk [tilespmem:v21+s3+$0x0], $0xffff;
	[tilespmem:v23+s5+$0x0] =	vst.idx.msk $0xffff, v20;
	v20 =	vtrunc.f32 v26;
	v21 =	vor.u32 $0x5, v6  }
0x83: {  	v23 =	vld.idx.msk [tilespmem:v25+s4+$0x0], $0xffff;
	[tilespmem:v27+s5+$0x0] =	vst.idx.msk $0xffff, v24;
	v24 =	vor.u32 $0x7, v0;
	v20 =	vcvt.f32.s32 v20;
	v12 =	vmin.u32 v12, $0x20  }
0x84: {  	s30 =	simm.s32 $0x50;
	v25 =	vor.u32 $0x19, v4;
	v27 =	vor.u32 $0x7, v1;
	v26 =	vld.idx.msk [tilespmem:v28+s3+$0x0], $0xffff;
	v12 =	vmul.u32 $0x11, v12  }
0x85: {  	v29 =	vor.u32 $0xA, v9;
	v28 =	vor.u32 s30, v18;
	v20 =	vmin.u32 v20, $0x10  }
0x86: {  	v30 =	vshll.u32 v28, $0x3;
	v31 =	vld.idx.msk [tilespmem:v13+s4+$0x0], $0xffff;
	[tilespmem:v15+s5+$0x0] =	vst.idx.msk $0xffff, v14;
	v14 =	vadd.s32 v20, v12;
	v12 =	vshll.u32 v22, $0x5  }
0x87: {  	v15 =	vld.idx.msk [tilespmem:v16+s3+$0x0], $0xffff;
	[tilespmem:v19+s5+$0x0] =	vst.idx.msk $0xffff, v17;
	v14 =	vshll.u32 v14, $0x4;
	v16 =	vor.u32 $0x12, v8  }
0x88: {  	v20 =	vor.u32 $0x5, v3;
	v19 =	vor.u32 $0x3, v11;
	v17 =	vld.idx.msk [tilespmem:v21+s4+$0x0], $0xffff;
	[tilespmem:v24+s5+$0x0] =	vst.idx.msk $0xffff, v23  }
0x89: {  	v22 =	vor.u32 $0x5, v5;
	v23 =	vor.u32 $0x17, v0;
	v21 =	vld.idx.msk [tilespmem:v27+s3+$0x0], $0xffff;
	[tilespmem:v25+s5+$0x0] =	vst.idx.msk $0xffff, v26  }
0x8a: {  	v25 =	vor.u32 $0x8, v2;
	v26 =	vor.u32 $0xA, v4;
	v24 =	vld.idx.msk [tilespmem:v29+s4+$0x0], $0xffff  }
0x8b: {  	v27 =	vld.idx.msk [tilespmem:v30+s6+$0x0], $0xffff;
	v29 =	vor.u32 $0xA, v7;
	[tilespmem:v12+s5+$0x0] =	vst.idx.msk $0xffff, v31  }
0x8c: {  	v31 =	vld.idx.msk [tilespmem:v14+s3+$0x0], $0xffff;
	[tilespmem:v16+s5+$0x0] =	vst.idx.msk $0xffff, v15;
	v15 =	vor.u32 $0x10, v12;
	v16 =	vor.u32 $0x2, v30  }
0x8d: {  	v19 =	vld.idx.msk [tilespmem:v19+s4+$0x0], $0xffff;
	[tilespmem:v20+s5+$0x0] =	vst.idx.msk $0xffff, v17;
	v17 =	vor.u32 $0x3, v8;
	v20 =	vor.u32 $0x1, v13  }
0x8e: {  	v22 =	vld.idx.msk [tilespmem:v22+s3+$0x0], $0xffff;
	[tilespmem:v23+s5+$0x0] =	vst.idx.msk $0xffff, v21;
	v21 =	vor.u32 $0x15, v3;
	v23 =	vor.u32 $0x3, v10  }
0x8f: {  	v25 =	vld.idx.msk [tilespmem:v25+s4+$0x0], $0xffff;
	[tilespmem:v26+s5+$0x0] =	vst.idx.msk $0xffff, v24;
	v24 =	vor.u32 $0x8, v0;
	v26 =	vor.u32 $0x6, v6  }
0x90: {  	v32 =	vor.u32 $0x1A, v4;
	v33 =	vor.u32 $0x8, v1;
	v29 =	vld.idx.msk [tilespmem:v29+s3+$0x0], $0xffff  }
0x91: {  	[tilespmem:v15+s5+$0x0] =	vst.idx.msk $0xffff, v31;
	v15 =	vld.idx.msk [tilespmem:v16+s6+$0x0], $0xffff;
	v16 =	vor.u32 $0xB, v9  }
0x92: {  	[tilespmem:v17+s5+$0x0] =	vst.idx.msk $0xffff, v19;
	v17 =	vld.idx.msk [tilespmem:v20+s4+$0x0], $0xffff;
	v19 =	vor.u32 $0x1, v30;
	v20 =	vor.u32 $0x1, v12  }
0x93: {  	[tilespmem:v21+s5+$0x0] =	vst.idx.msk $0xffff, v22;
	v21 =	vld.idx.msk [tilespmem:v23+s3+$0x0], $0xffff;
	v22 =	vor.u32 $0x1, v14;
	v23 =	vor.u32 $0x13, v8  }
0x94: {  	[tilespmem:v24+s5+$0x0] =	vst.idx.msk $0xffff, v25;
	v24 =	vld.idx.msk [tilespmem:v26+s4+$0x0], $0xffff;
	v25 =	vor.u32 $0x4, v11;
	v26 =	vor.u32 $0x6, v3  }
0x95: {  	v31 =	vor.u32 $0x18, v0;
	v30 =	vor.u32 $0x6, v5;
	[tilespmem:v32+s5+$0x0] =	vst.idx.msk $0xffff, v29;
	v29 =	vld.idx.msk [tilespmem:v33+s3+$0x0], $0xffff  }
0x96: {  	s31 =	simm.s32 $0x60;
	v49 =	vor.u32 $0xB, v4;
	v48 =	vor.u32 $0x9, v2;
	v16 =	vld.idx.msk [tilespmem:v16+s4+$0x0], $0xffff  }
0x97: {  	v34 =	vld.idx.msk [tilespmem:v19+s6+$0x0], $0xffff;
	[tilespmem:v20+s5+$0x0] =	vst.idx.msk $0xffff, v17;
	v17 =	vor.u32 $0xB, v7;
	v19 =	vor.u32 s31, v18  }
0x98: {  	v22 =	vld.idx.msk [tilespmem:v22+s3+$0x0], $0xffff;
	[tilespmem:v23+s5+$0x0] =	vst.idx.msk $0xffff, v21;
	v21 =	vshll.u32 v19, $0x3;
	v23 =	vor.u32 $0x11, v12  }
0x99: {  	v25 =	vld.idx.msk [tilespmem:v25+s4+$0x0], $0xffff;
	[tilespmem:v26+s5+$0x0] =	vst.idx.msk $0xffff, v24;
	v24 =	vor.u32 $0x2, v13;
	v26 =	vor.u32 $0x4, v8  }
0x9a: {  	v20 =	vtrunc.f32 v27;
	v27 =	vld.idx.msk [tilespmem:v30+s3+$0x0], $0xffff;
	[tilespmem:v31+s5+$0x0] =	vst.idx.msk $0xffff, v29;
	v29 =	vor.u32 $0x4, v10;
	v30 =	vor.u32 $0x16, v3  }
0x9b: {  	v51 =	vor.u32 $0x9, v0;
	v50 =	vor.u32 $0x7, v6;
	v20 =	vcvt.f32.s32 v20;
	v31 =	vld.idx.msk [tilespmem:v48+s4+$0x0], $0xffff;
	[tilespmem:v49+s5+$0x0] =	vst.idx.msk $0xffff, v16  }
0x9c: {  	v36 =	vor.u32 $0x1B, v4;
	v35 =	vor.u32 $0x9, v1;
	v15 =	vtrunc.f32 v15;
	v17 =	vld.idx.msk [tilespmem:v17+s3+$0x0], $0xffff  }
0x9d: {  	v16 =	vmin.u32 v20, $0x40;
	v20 =	vld.idx.msk [tilespmem:v21+s6+$0x0], $0xffff;
	[tilespmem:v23+s5+$0x0] =	vst.idx.msk $0xffff, v22;
	v22 =	vor.u32 $0xC, v9;
	v23 =	vtrunc.f32 v34  }
0x9e: {  	v16 =	vshll.u32 v16, $0x4;
	v24 =	vld.idx.msk [tilespmem:v24+s4+$0x0], $0xffff;
	[tilespmem:v26+s5+$0x0] =	vst.idx.msk $0xffff, v25;
	v25 =	vor.u32 $0x2, v12;
	v23 =	vcvt.f32.s32 v23  }
0x9f: {  	v15 =	vcvt.f32.s32 v15;
	v26 =	vor.u32 $0x2, v14;
	v29 =	vld.idx.msk [tilespmem:v29+s3+$0x0], $0xffff;
	[tilespmem:v30+s5+$0x0] =	vst.idx.msk $0xffff, v27;
	v27 =	vor.u32 $0x14, v8  }
0xa0: {  	v30 =	vor.u32 $0x5, v11;
	v32 =	vld.idx.msk [tilespmem:v50+s4+$0x0], $0xffff;
	[tilespmem:v51+s5+$0x0] =	vst.idx.msk $0xffff, v31;
	v31 =	vor.u32 $0x7, v3;
	v23 =	vmin.u32 v23, $0x20  }
0xa1: {  	v52 =	vor.u32 $0x19, v0;
	v54 =	vor.u32 $0x7, v5;
	v53 =	vld.idx.msk [tilespmem:v35+s3+$0x0], $0xffff;
	[tilespmem:v36+s5+$0x0] =	vst.idx.msk $0xffff, v17;
	v17 =	vmul.u32 $0x11, v23  }
0xa2: {  	v55 =	vor.u32 $0xC, v4;
	v15 =	vmin.u32 v15, $0x10;
	v23 =	vor.u32 $0xA, v2;
	v22 =	vld.idx.msk [tilespmem:v22+s4+$0x0], $0xffff  }
0xa3: {  	v37 =	vld.idx.msk [tilespmem:v16+s4+$0x0], $0xffff;
	[tilespmem:v25+s5+$0x0] =	vst.idx.msk $0xffff, v24;
	v24 =	vor.u32 $0xC, v7;
	v17 =	vadd.s32 v15, v17;
	v15 =	vshll.u32 v28, $0x5  }
0xa4: {  	v25 =	vld.idx.msk [tilespmem:v26+s3+$0x0], $0xffff;
	[tilespmem:v27+s5+$0x0] =	vst.idx.msk $0xffff, v29;
	v17 =	vshll.u32 v17, $0x4;
	v26 =	vor.u32 $0x12, v12  }
0xa5: {  	v28 =	vor.u32 $0x3, v13;
	v29 =	vor.u32 $0x5, v8;
	v27 =	vld.idx.msk [tilespmem:v30+s4+$0x0], $0xffff;
	[tilespmem:v31+s5+$0x0] =	vst.idx.msk $0xffff, v32  }
0xa6: {  	v56 =	vor.u32 $0x17, v3;
	v31 =	vor.u32 $0x5, v10;
	v30 =	vld.idx.msk [tilespmem:v54+s3+$0x0], $0xffff;
	[tilespmem:v52+s5+$0x0] =	vst.idx.msk $0xffff, v53  }
0xa7: {  	v57 =	vor.u32 $0xA, v0;
	v23 =	vld.idx.msk [tilespmem:v23+s4+$0x0], $0xffff;
	[tilespmem:v55+s5+$0x0] =	vst.idx.msk $0xffff, v22;
	v22 =	vor.u32 $0x8, v6  }
0xa8: {  	v59 =	vor.u32 $0x1C, v4;
	v58 =	vor.u32 $0xA, v1;
	v24 =	vld.idx.msk [tilespmem:v24+s3+$0x0], $0xffff;
	[tilespmem:v15+s5+$0x0] =	vst.idx.msk $0xffff, v37  }
0xa9: {  	v60 =	vld.idx.msk [tilespmem:v17+s3+$0x0], $0xffff;
	[tilespmem:v26+s5+$0x0] =	vst.idx.msk $0xffff, v25;
	v25 =	vor.u32 $0xD, v9  }
0xaa: {  	v26 =	vor.u32 $0x10, v15;
	v28 =	vld.idx.msk [tilespmem:v28+s4+$0x0], $0xffff;
	[tilespmem:v29+s5+$0x0] =	vst.idx.msk $0xffff, v27;
	v27 =	vor.u32 $0x2, v21  }
0xab: {  	v29 =	vor.u32 $0x3, v12;
	v61 =	vld.idx.msk [tilespmem:v31+s3+$0x0], $0xffff;
	[tilespmem:v56+s5+$0x0] =	vst.idx.msk $0xffff, v30;
	v30 =	vor.u32 $0x1, v16  }
0xac: {  	v62 =	vor.u32 $0x15, v8;
	v22 =	vld.idx.msk [tilespmem:v22+s4+$0x0], $0xffff;
	[tilespmem:v57+s5+$0x0] =	vst.idx.msk $0xffff, v23;
	v23 =	vor.u32 $0x3, v14  }
0xad: {  	v63 =	vor.u32 $0x8, v3;
	v38 =	vld.idx.msk [tilespmem:v58+s3+$0x0], $0xffff;
	[tilespmem:v59+s5+$0x0] =	vst.idx.msk $0xffff, v24;
	v24 =	vor.u32 $0x6, v11  }
0xae: {  	v39 =	vor.u32 $0x1A, v0;
	v40 =	vor.u32 $0x8, v5;
	v25 =	vld.idx.msk [tilespmem:v25+s4+$0x0], $0xffff  }
0xaf: {  	v41 =	vor.u32 $0xB, v2;
	[tilespmem:v26+s5+$0x0] =	vst.idx.msk $0xffff, v60;
	v26 =	vor.u32 $0xD, v4;
	v31 =	vld.idx.msk [tilespmem:v27+s6+$0x0], $0xffff  }
0xb0: {  	v42 =	vor.u32 $0xD, v7;
	[tilespmem:v29+s5+$0x0] =	vst.idx.msk $0xffff, v28;
	v34 =	vld.idx.msk [tilespmem:v30+s4+$0x0], $0xffff  }
0xb1: {  	v35 =	vor.u32 $0x1, v15;
	v37 =	vor.u32 $0x1, v21;
	[tilespmem:v62+s5+$0x0] =	vst.idx.msk $0xffff, v61;
	v28 =	vld.idx.msk [tilespmem:v23+s3+$0x0], $0xffff  }
0xb2: {  	v36 =	vor.u32 $0x1, v17;
	v32 =	vor.u32 $0x13, v12;
	[tilespmem:v63+s5+$0x0] =	vst.idx.msk $0xffff, v22;
	v27 =	vld.idx.msk [tilespmem:v24+s4+$0x0], $0xffff  }
0xb3: {  	v33 =	vor.u32 $0x4, v13;
	v29 =	vor.u32 $0x6, v8;
	[tilespmem:v39+s5+$0x0] =	vst.idx.msk $0xffff, v38;
	v22 =	vld.idx.msk [tilespmem:v40+s3+$0x0], $0xffff  }
0xb4: {  	v30 =	vor.u32 $0x6, v10;
	[tilespmem:v26+s5+$0x0] =	vst.idx.msk $0xffff, v25;
	v23 =	vld.idx.msk [tilespmem:v41+s4+$0x0], $0xffff;
	v26 =	vor.u32 $0x18, v3  }
0xb5: {  	s7 =	simm.s32 $0x70;
	v24 =	vor.u32 $0x9, v6;
	v25 =	vor.u32 $0xB, v0;
	v21 =	vld.idx.msk [tilespmem:v42+s3+$0x0], $0xffff  }
.LBB2_1:
0xb6: {  	p0 =	sne.s32 s7, $0x3F0;
	v37 =	vld.idx.msk [tilespmem:v37+s6+$0x0], $0xffff;
	[tilespmem:v35+s5+$0x0] =	vst.idx.msk $0xffff, v34;
	v34 =	vor.u32 $0xB, v1;
	v35 =	vor.u32 $0x1D, v4  }
0xb7: {  	v38 =	vor.u32 s7, v18;
	v36 =	vld.idx.msk [tilespmem:v36+s3+$0x0], $0xffff;
	[tilespmem:v32+s5+$0x0] =	vst.idx.msk $0xffff, v28;
	v32 =	vor.u32 $0xE, v9  }
0xb8: {  	v39 =	vor.u32 $0x11, v15;
	v28 =	vshll.u32 v38, $0x3;
	v33 =	vld.idx.msk [tilespmem:v33+s4+$0x0], $0xffff;
	[tilespmem:v29+s5+$0x0] =	vst.idx.msk $0xffff, v27  }
0xb9: {  	v27 =	vor.u32 $0x2, v16;
	v29 =	vor.u32 $0x4, v12;
	v30 =	vld.idx.msk [tilespmem:v30+s3+$0x0], $0xffff;
	[tilespmem:v26+s5+$0x0] =	vst.idx.msk $0xffff, v22  }
0xba: {  	v22 =	vor.u32 $0x4, v14;
	v26 =	vor.u32 $0x16, v8;
	v24 =	vld.idx.msk [tilespmem:v24+s4+$0x0], $0xffff;
	[tilespmem:v25+s5+$0x0] =	vst.idx.msk $0xffff, v23  }
0xbb: {  	v20 =	vtrunc.f32 v20;
	v23 =	vor.u32 $0x7, v11;
	v25 =	vor.u32 $0x9, v3;
	v34 =	vld.idx.msk [tilespmem:v34+s3+$0x0], $0xffff;
	[tilespmem:v35+s5+$0x0] =	vst.idx.msk $0xffff, v21  }
0xbc: {  	v40 =	vor.u32 $0x1B, v0;
	v21 =	vcvt.f32.s32 v20;
	v35 =	vor.u32 $0x9, v5;
	v32 =	vld.idx.msk [tilespmem:v32+s4+$0x0], $0xffff  }
0xbd: {  	v20 =	vld.idx.msk [tilespmem:v28+s6+$0x0], $0xffff;
	[tilespmem:v39+s5+$0x0] =	vst.idx.msk $0xffff, v36;
	v36 =	vor.u32 $0xC, v2;
	v39 =	vor.u32 $0xE, v4  }
0xbe: {  	v21 =	vmin.u32 v21, $0x40;
	v27 =	vld.idx.msk [tilespmem:v27+s4+$0x0], $0xffff;
	[tilespmem:v29+s5+$0x0] =	vst.idx.msk $0xffff, v33;
	v29 =	vor.u32 $0x19, v3;
	v33 =	vor.u32 $0xE, v7  }
0xbf: {  	v41 =	vor.u32 $0x2, v15;
	v37 =	vtrunc.f32 v37;
	v21 =	vshll.u32 v21, $0x4;
	v22 =	vld.idx.msk [tilespmem:v22+s3+$0x0], $0xffff;
	[tilespmem:v26+s5+$0x0] =	vst.idx.msk $0xffff, v30  }
0xc0: {  	v26 =	vcvt.f32.s32 v37;
	v30 =	vor.u32 $0x2, v17;
	v37 =	vor.u32 $0x14, v12;
	v23 =	vld.idx.msk [tilespmem:v23+s4+$0x0], $0xffff;
	[tilespmem:v25+s5+$0x0] =	vst.idx.msk $0xffff, v24  }
0xc1: {  	v24 =	vtrunc.f32 v31;
	v25 =	vor.u32 $0x5, v13;
	v31 =	vor.u32 $0x7, v8;
	v35 =	vld.idx.msk [tilespmem:v35+s3+$0x0], $0xffff;
	[tilespmem:v40+s5+$0x0] =	vst.idx.msk $0xffff, v34  }
0xc2: {  	v24 =	vcvt.f32.s32 v24;
	v26 =	vmin.u32 v26, $0x20;
	v34 =	vor.u32 $0x7, v10;
	v36 =	vld.idx.msk [tilespmem:v36+s4+$0x0], $0xffff;
	[tilespmem:v39+s5+$0x0] =	vst.idx.msk $0xffff, v32  }
0xc3: {  	v26 =	vmul.u32 $0x11, v26;
	v32 =	vor.u32 $0xA, v6;
	v39 =	vor.u32 $0xC, v0;
	v33 =	vld.idx.msk [tilespmem:v33+s3+$0x0], $0xffff  }
0xc4: {  	v24 =	vmin.u32 v24, $0x10;
	v40 =	vld.idx.msk [tilespmem:v21+s4+$0x0], $0xffff;
	[tilespmem:v41+s5+$0x0] =	vst.idx.msk $0xffff, v27;
	v27 =	vor.u32 $0xC, v1;
	v41 =	vor.u32 $0x1E, v4  }
0xc5: {  	v24 =	vadd.s32 v24, v26;
	v26 =	vshll.u32 v19, $0x5;
	v30 =	vld.idx.msk [tilespmem:v30+s3+$0x0], $0xffff;
	[tilespmem:v37+s5+$0x0] =	vst.idx.msk $0xffff, v22;
	v22 =	vor.u32 $0xF, v9  }
0xc6: {  	v19 =	vmovc v38;
	v24 =	vshll.u32 v24, $0x4;
	v37 =	vor.u32 $0x12, v15;
	v9 =	vmov v2;
	v25 =	vld.idx.msk [tilespmem:v25+s4+$0x0], $0xffff;
	[tilespmem:v31+s5+$0x0] =	vst.idx.msk $0xffff, v23  }
0xc7: {  	v2 =	vmovc v6;
	v6 =	vmov v11;
	v23 =	vor.u32 $0x3, v16;
	v31 =	vor.u32 $0x5, v12;
	v34 =	vld.idx.msk [tilespmem:v34+s3+$0x0], $0xffff;
	[tilespmem:v29+s5+$0x0] =	vst.idx.msk $0xffff, v35  }
0xc8: {  	v11 =	vmovc v13;
	v13 =	vmov v16;
	v29 =	vor.u32 $0x5, v14;
	v35 =	vor.u32 $0x17, v8;
	v32 =	vld.idx.msk [tilespmem:v32+s4+$0x0], $0xffff;
	[tilespmem:v39+s5+$0x0] =	vst.idx.msk $0xffff, v36  }
0xc9: {  	v38 =	vor.u32 $0xA, v3;
	v16 =	vmov v21;
	v36 =	vor.u32 $0x8, v6;
	v27 =	vld.idx.msk [tilespmem:v27+s3+$0x0], $0xffff;
	[tilespmem:v41+s5+$0x0] =	vst.idx.msk $0xffff, v33  }
0xca: {  	v21 =	vor.u32 $0xA, v5;
	v33 =	vor.u32 $0x1C, v0;
	[tilespmem:v26+s5+$0x0] =	vst.idx.msk $0xffff, v40;
	v22 =	vld.idx.msk [tilespmem:v22+s4+$0x0], $0xffff  }
0xcb: {  	v39 =	vld.idx.msk [tilespmem:v24+s3+$0x0], $0xffff;
	[tilespmem:v37+s5+$0x0] =	vst.idx.msk $0xffff, v30;
	v30 =	vor.u32 $0xD, v9;
	v37 =	vor.u32 $0xF, v4  }
0xcc: {  	v40 =	vor.u32 $0x10, v26;
	v23 =	vld.idx.msk [tilespmem:v23+s4+$0x0], $0xffff;
	[tilespmem:v31+s5+$0x0] =	vst.idx.msk $0xffff, v25;
	v25 =	vor.u32 $0xF, v7;
	v7 =	vmovc v1;
	v1 =	vmov v5  }
0xcd: {  	v41 =	vor.u32 $0x3, v15;
	v31 =	vor.u32 $0x2, v28;
	v5 =	vmovc v10;
	v10 =	vmov v14;
	v29 =	vld.idx.msk [tilespmem:v29+s3+$0x0], $0xffff;
	[tilespmem:v35+s5+$0x0] =	vst.idx.msk $0xffff, v34  }
0xce: {  	v14 =	vmovc v17;
	v17 =	vmov v24;
	v34 =	vor.u32 $0x1, v16;
	v35 =	vor.u32 $0x15, v12;
	v36 =	vld.idx.msk [tilespmem:v36+s4+$0x0], $0xffff;
	[tilespmem:v38+s5+$0x0] =	vst.idx.msk $0xffff, v32  }
0xcf: {  	v24 =	vor.u32 $0x3, v14;
	v32 =	vor.u32 $0x8, v8;
	v21 =	vld.idx.msk [tilespmem:v21+s3+$0x0], $0xffff;
	[tilespmem:v33+s5+$0x0] =	vst.idx.msk $0xffff, v27  }
0xd0: {  	v27 =	vor.u32 $0x6, v11;
	v33 =	vor.u32 $0x1A, v3;
	v30 =	vld.idx.msk [tilespmem:v30+s4+$0x0], $0xffff;
	[tilespmem:v37+s5+$0x0] =	vst.idx.msk $0xffff, v22  }
0xd1: {  	v38 =	vor.u32 $0xD, v0;
	v22 =	vor.u32 $0x8, v5;
	[tilespmem:v40+s5+$0x0] =	vst.idx.msk $0xffff, v39;
	v25 =	vld.idx.msk [tilespmem:v25+s3+$0x0], $0xffff  }
0xd2: {  	v39 =	vor.u32 $0x1F, v4;
	v4 =	vmovc v0;
	v0 =	vmov v3;
	v31 =	vld.idx.msk [tilespmem:v31+s6+$0x0], $0xffff;
	[tilespmem:v41+s5+$0x0] =	vst.idx.msk $0xffff, v23;
	v23 =	vor.u32 $0xB, v2  }
0xd3: {  	v40 =	vor.u32 $0xD, v7;
	v3 =	vmovc v8;
	v8 =	vmov v12;
	v12 =	vmov v15;
	v34 =	vld.idx.msk [tilespmem:v34+s4+$0x0], $0xffff;
	[tilespmem:v35+s5+$0x0] =	vst.idx.msk $0xffff, v29  }
.Ltmp0:
0xd4: {  	v37 =	vor.u32 $0x1, v28;
	v15 =	vmov v26;
	v35 =	vor.u32 $0x1, v26;
	v28 =	vld.idx.msk [tilespmem:v24+s3+$0x0], $0xffff;
	[tilespmem:v32+s5+$0x0] =	vst.idx.msk $0xffff, v36;
	(pc) =	sbr.rel @p0 .LBB2_1-.Ltmp0, $4  }
0xd5: {  	v36 =	vor.u32 $0x1, v17;
	v32 =	vor.u32 $0x13, v12;
	v27 =	vld.idx.msk [tilespmem:v27+s4+$0x0], $0xffff;
	[tilespmem:v33+s5+$0x0] =	vst.idx.msk $0xffff, v21  }
0xd6: {  	v29 =	vor.u32 $0x6, v8;
	v33 =	vor.u32 $0x4, v13;
	v22 =	vld.idx.msk [tilespmem:v22+s3+$0x0], $0xffff;
	[tilespmem:v38+s5+$0x0] =	vst.idx.msk $0xffff, v30  }
0xd7: {  	v26 =	vor.u32 $0x18, v3;
	v30 =	vor.u32 $0x6, v10;
	v23 =	vld.idx.msk [tilespmem:v23+s4+$0x0], $0xffff;
	[tilespmem:v39+s5+$0x0] =	vst.idx.msk $0xffff, v25  }
0xd8: {  	s7 =	sadd.s32 $0x10, s7;
	v24 =	vor.u32 $0x9, v6;
	v25 =	vor.u32 $0xB, v0;
	v21 =	vld.idx.msk [tilespmem:v40+s3+$0x0], $0xffff  }
0xd9: {  	_ =	sdelay $0x3  }
0xda: {  	v18 =	vld.idx.msk [tilespmem:v37+s6+$0x0], $0xffff;
	_ =	sdelay $0x1  }
0xdb: {  	v20 =	vtrunc.f32 v20  }
0xdc: {  	v20 =	vcvt.f32.s32 v20;
	_ =	sdelay $0x1  }
0xdd: {  	v20 =	vmin.u32 v20, $0x40;
	v18 =	vtrunc.f32 v18  }
0xde: {  	v20 =	vshll.u32 v20, $0x4;
	v18 =	vcvt.f32.s32 v18  }
0xdf: {  	v31 =	vtrunc.f32 v31  }
0xe0: {  	v31 =	vcvt.f32.s32 v31;
	v18 =	vmin.u32 v18, $0x20  }
0xe1: {  	v18 =	vmul.u32 $0x11, v18  }
0xe2: {  	v31 =	vmin.u32 v31, $0x10  }
0xe3: {  	v45 =	vld.idx.msk [tilespmem:v20+s4+$0x0], $0xffff;
	v31 =	vadd.s32 v31, v18;
	v18 =	vshll.u32 v19, $0x5  }
0xe4: {  	v19 =	vshll.u32 v31, $0x4;
	_ =	sdelay $0x3  }
0xe5: {  	[tilespmem:v18+s5+$0x0] =	vst.idx.msk $0xffff, v45  }
0xe6: {  	v46 =	vor.u32 $0x10, v18;
	v31 =	vld.idx.msk [tilespmem:v19+s3+$0x0], $0xffff  }
0xe7: {  	v38 =	vor.u32 $0x1, v20;
	_ =	sdelay $0x3  }
0xe8: {  	[tilespmem:v46+s5+$0x0] =	vst.idx.msk $0xffff, v31  }
0xe9: {  	v47 =	vor.u32 $0x1, v18;
	v31 =	vld.idx.msk [tilespmem:v38+s4+$0x0], $0xffff  }
0xea: {  	v48 =	vor.u32 $0x1, v19;
	_ =	sdelay $0x2  }
0xeb: {  	[tilespmem:v35+s5+$0x0] =	vst.idx.msk $0xffff, v34  }
0xec: {  	v49 =	vor.u32 $0x11, v15;
	v34 =	vld.idx.msk [tilespmem:v36+s3+$0x0], $0xffff;
	[tilespmem:v47+s5+$0x0] =	vst.idx.msk $0xffff, v31  }
0xed: {  	v50 =	vor.u32 $0x2, v16;
	v52 =	vor.u32 $0x11, v18;
	v51 =	vld.idx.msk [tilespmem:v48+s3+$0x0], $0xffff  }
0xee: {  	v53 =	vor.u32 $0x2, v20;
	_ =	sdelay $0x2  }
0xef: {  	[tilespmem:v49+s5+$0x0] =	vst.idx.msk $0xffff, v34  }
0xf0: {  	v54 =	vor.u32 $0x2, v15;
	v31 =	vld.idx.msk [tilespmem:v50+s4+$0x0], $0xffff;
	[tilespmem:v52+s5+$0x0] =	vst.idx.msk $0xffff, v51  }
0xf1: {  	v55 =	vor.u32 $0x2, v17;
	v56 =	vor.u32 $0x2, v18;
	v36 =	vld.idx.msk [tilespmem:v53+s4+$0x0], $0xffff  }
0xf2: {  	v57 =	vor.u32 $0x2, v19;
	_ =	sdelay $0x2  }
0xf3: {  	[tilespmem:v54+s5+$0x0] =	vst.idx.msk $0xffff, v31  }
0xf4: {  	v58 =	vor.u32 $0x12, v15;
	v31 =	vld.idx.msk [tilespmem:v55+s3+$0x0], $0xffff;
	[tilespmem:v56+s5+$0x0] =	vst.idx.msk $0xffff, v36  }
0xf5: {  	v59 =	vor.u32 $0x3, v16;
	v60 =	vor.u32 $0x12, v18;
	v36 =	vld.idx.msk [tilespmem:v57+s3+$0x0], $0xffff  }
0xf6: {  	v61 =	vor.u32 $0x3, v20;
	_ =	sdelay $0x2  }
0xf7: {  	[tilespmem:v58+s5+$0x0] =	vst.idx.msk $0xffff, v31  }
0xf8: {  	v62 =	vor.u32 $0x3, v15;
	v31 =	vld.idx.msk [tilespmem:v59+s4+$0x0], $0xffff;
	[tilespmem:v60+s5+$0x0] =	vst.idx.msk $0xffff, v36  }
0xf9: {  	v63 =	vor.u32 $0x3, v17;
	v40 =	vor.u32 $0x3, v18;
	v36 =	vld.idx.msk [tilespmem:v61+s4+$0x0], $0xffff  }
0xfa: {  	v41 =	vor.u32 $0x3, v19;
	_ =	sdelay $0x2  }
0xfb: {  	[tilespmem:v62+s5+$0x0] =	vst.idx.msk $0xffff, v31  }
0xfc: {  	v42 =	vor.u32 $0x13, v15;
	v31 =	vld.idx.msk [tilespmem:v63+s3+$0x0], $0xffff;
	[tilespmem:v40+s5+$0x0] =	vst.idx.msk $0xffff, v36  }
0xfd: {  	v43 =	vor.u32 $0x4, v16;
	v44 =	vor.u32 $0x13, v18;
	v36 =	vld.idx.msk [tilespmem:v41+s3+$0x0], $0xffff  }
0xfe: {  	v45 =	vor.u32 $0x4, v20;
	_ =	sdelay $0x1  }
0xff: {  	[tilespmem:v32+s5+$0x0] =	vst.idx.msk $0xffff, v28  }
0x100: {  	v28 =	vld.idx.msk [tilespmem:v33+s4+$0x0], $0xffff;
	v46 =	vor.u32 $0x4, v12;
	[tilespmem:v42+s5+$0x0] =	vst.idx.msk $0xffff, v31  }
0x101: {  	v49 =	vor.u32 $0x4, v15;
	v47 =	vor.u32 $0x4, v14;
	v48 =	vld.idx.msk [tilespmem:v43+s4+$0x0], $0xffff;
	[tilespmem:v44+s5+$0x0] =	vst.idx.msk $0xffff, v36  }
0x102: {  	v50 =	vor.u32 $0x4, v17;
	v51 =	vor.u32 $0x4, v18;
	v36 =	vld.idx.msk [tilespmem:v45+s4+$0x0], $0xffff  }
0x103: {  	v52 =	vor.u32 $0x4, v19;
	_ =	sdelay $0x1  }
0x104: {  	[tilespmem:v46+s5+$0x0] =	vst.idx.msk $0xffff, v28  }
0x105: {  	v28 =	vld.idx.msk [tilespmem:v47+s3+$0x0], $0xffff;
	v53 =	vor.u32 $0x14, v12;
	[tilespmem:v49+s5+$0x0] =	vst.idx.msk $0xffff, v48  }
0x106: {  	v54 =	vor.u32 $0x5, v13;
	v55 =	vor.u32 $0x14, v15;
	v33 =	vld.idx.msk [tilespmem:v50+s3+$0x0], $0xffff;
	[tilespmem:v51+s5+$0x0] =	vst.idx.msk $0xffff, v36  }
0x107: {  	v56 =	vor.u32 $0x5, v16;
	v57 =	vor.u32 $0x14, v18;
	v36 =	vld.idx.msk [tilespmem:v52+s3+$0x0], $0xffff  }
0x108: {  	v58 =	vor.u32 $0x5, v20;
	_ =	sdelay $0x1  }
0x109: {  	[tilespmem:v53+s5+$0x0] =	vst.idx.msk $0xffff, v28  }
0x10a: {  	v59 =	vor.u32 $0x5, v12;
	v28 =	vld.idx.msk [tilespmem:v54+s4+$0x0], $0xffff;
	[tilespmem:v55+s5+$0x0] =	vst.idx.msk $0xffff, v33  }
0x10b: {  	v60 =	vor.u32 $0x5, v14;
	v61 =	vor.u32 $0x5, v15;
	v33 =	vld.idx.msk [tilespmem:v56+s4+$0x0], $0xffff;
	[tilespmem:v57+s5+$0x0] =	vst.idx.msk $0xffff, v36  }
0x10c: {  	v62 =	vor.u32 $0x5, v17;
	v63 =	vor.u32 $0x5, v18;
	v36 =	vld.idx.msk [tilespmem:v58+s4+$0x0], $0xffff  }
0x10d: {  	v40 =	vor.u32 $0x5, v19;
	_ =	sdelay $0x1  }
0x10e: {  	[tilespmem:v59+s5+$0x0] =	vst.idx.msk $0xffff, v28  }
0x10f: {  	v28 =	vld.idx.msk [tilespmem:v60+s3+$0x0], $0xffff;
	v41 =	vor.u32 $0x15, v12;
	[tilespmem:v61+s5+$0x0] =	vst.idx.msk $0xffff, v33  }
0x110: {  	v42 =	vor.u32 $0x6, v13;
	v43 =	vor.u32 $0x15, v15;
	v33 =	vld.idx.msk [tilespmem:v62+s3+$0x0], $0xffff;
	[tilespmem:v63+s5+$0x0] =	vst.idx.msk $0xffff, v36  }
0x111: {  	v44 =	vor.u32 $0x6, v16;
	v45 =	vor.u32 $0x15, v18;
	v36 =	vld.idx.msk [tilespmem:v40+s3+$0x0], $0xffff  }
0x112: {  	v46 =	vor.u32 $0x6, v20;
	_ =	sdelay $0x1  }
0x113: {  	[tilespmem:v41+s5+$0x0] =	vst.idx.msk $0xffff, v28  }
0x114: {  	v47 =	vor.u32 $0x6, v12;
	v28 =	vld.idx.msk [tilespmem:v42+s4+$0x0], $0xffff;
	[tilespmem:v43+s5+$0x0] =	vst.idx.msk $0xffff, v33  }
0x115: {  	v48 =	vor.u32 $0x6, v14;
	v49 =	vor.u32 $0x6, v15;
	v33 =	vld.idx.msk [tilespmem:v44+s4+$0x0], $0xffff;
	[tilespmem:v45+s5+$0x0] =	vst.idx.msk $0xffff, v36  }
0x116: {  	[tilespmem:v29+s5+$0x0] =	vst.idx.msk $0xffff, v27;
	v50 =	vor.u32 $0x6, v17;
	v51 =	vor.u32 $0x6, v18;
	v36 =	vld.idx.msk [tilespmem:v46+s4+$0x0], $0xffff  }
0x117: {  	v27 =	vld.idx.msk [tilespmem:v30+s3+$0x0], $0xffff;
	v53 =	vor.u32 $0x16, v8;
	v52 =	vor.u32 $0x6, v19  }
0x118: {  	v54 =	vor.u32 $0x7, v11  }
0x119: {  	[tilespmem:v47+s5+$0x0] =	vst.idx.msk $0xffff, v28  }
0x11a: {  	v56 =	vor.u32 $0x16, v12;
	v55 =	vld.idx.msk [tilespmem:v48+s3+$0x0], $0xffff;
	[tilespmem:v49+s5+$0x0] =	vst.idx.msk $0xffff, v33  }
0x11b: {  	v57 =	vor.u32 $0x7, v13;
	v58 =	vor.u32 $0x16, v15;
	v33 =	vld.idx.msk [tilespmem:v50+s3+$0x0], $0xffff;
	[tilespmem:v51+s5+$0x0] =	vst.idx.msk $0xffff, v36  }
0x11c: {  	[tilespmem:v53+s5+$0x0] =	vst.idx.msk $0xffff, v27;
	v59 =	vor.u32 $0x7, v16;
	v60 =	vor.u32 $0x16, v18;
	v36 =	vld.idx.msk [tilespmem:v52+s3+$0x0], $0xffff  }
0x11d: {  	v27 =	vld.idx.msk [tilespmem:v54+s4+$0x0], $0xffff;
	v61 =	vor.u32 $0x7, v20;
	v62 =	vor.u32 $0x7, v8  }
0x11e: {  	v63 =	vor.u32 $0x7, v10  }
0x11f: {  	[tilespmem:v56+s5+$0x0] =	vst.idx.msk $0xffff, v55  }
0x120: {  	v30 =	vld.idx.msk [tilespmem:v57+s4+$0x0], $0xffff;
	v40 =	vor.u32 $0x7, v12;
	[tilespmem:v58+s5+$0x0] =	vst.idx.msk $0xffff, v33  }
0x121: {  	v41 =	vor.u32 $0x7, v14;
	v42 =	vor.u32 $0x7, v15;
	v33 =	vld.idx.msk [tilespmem:v59+s4+$0x0], $0xffff;
	[tilespmem:v60+s5+$0x0] =	vst.idx.msk $0xffff, v36  }
0x122: {  	v43 =	vor.u32 $0x7, v17;
	[tilespmem:v62+s5+$0x0] =	vst.idx.msk $0xffff, v27;
	v44 =	vor.u32 $0x7, v18;
	v36 =	vld.idx.msk [tilespmem:v61+s4+$0x0], $0xffff  }
0x123: {  	v27 =	vld.idx.msk [tilespmem:v63+s3+$0x0], $0xffff;
	v45 =	vor.u32 $0x7, v19;
	v46 =	vor.u32 $0x17, v8  }
0x124: {  	v47 =	vor.u32 $0x8, v11  }
0x125: {  	[tilespmem:v40+s5+$0x0] =	vst.idx.msk $0xffff, v30  }
0x126: {  	v48 =	vor.u32 $0x17, v12;
	v30 =	vld.idx.msk [tilespmem:v41+s3+$0x0], $0xffff;
	[tilespmem:v42+s5+$0x0] =	vst.idx.msk $0xffff, v33  }
0x127: {  	v49 =	vor.u32 $0x8, v13;
	v50 =	vor.u32 $0x17, v15;
	v33 =	vld.idx.msk [tilespmem:v43+s3+$0x0], $0xffff;
	[tilespmem:v44+s5+$0x0] =	vst.idx.msk $0xffff, v36  }
0x128: {  	v51 =	vor.u32 $0x8, v16;
	[tilespmem:v46+s5+$0x0] =	vst.idx.msk $0xffff, v27;
	v52 =	vor.u32 $0x17, v18;
	v36 =	vld.idx.msk [tilespmem:v45+s3+$0x0], $0xffff  }
0x129: {  	v53 =	vor.u32 $0x8, v20;
	v54 =	vor.u32 $0x8, v8;
	v27 =	vld.idx.msk [tilespmem:v47+s4+$0x0], $0xffff  }
0x12a: {  	v55 =	vor.u32 $0x8, v10  }
0x12b: {  	[tilespmem:v48+s5+$0x0] =	vst.idx.msk $0xffff, v30  }
0x12c: {  	v56 =	vor.u32 $0x8, v12;
	v30 =	vld.idx.msk [tilespmem:v49+s4+$0x0], $0xffff;
	[tilespmem:v50+s5+$0x0] =	vst.idx.msk $0xffff, v33  }
0x12d: {  	v57 =	vor.u32 $0x8, v14;
	v58 =	vor.u32 $0x8, v15;
	v33 =	vld.idx.msk [tilespmem:v51+s4+$0x0], $0xffff;
	[tilespmem:v52+s5+$0x0] =	vst.idx.msk $0xffff, v36  }
0x12e: {  	v59 =	vor.u32 $0x8, v17;
	v60 =	vor.u32 $0x8, v18;
	[tilespmem:v54+s5+$0x0] =	vst.idx.msk $0xffff, v27;
	v36 =	vld.idx.msk [tilespmem:v53+s4+$0x0], $0xffff  }
0x12f: {  	v62 =	vor.u32 $0x18, v8;
	v61 =	vor.u32 $0x8, v19;
	v27 =	vld.idx.msk [tilespmem:v55+s3+$0x0], $0xffff  }
0x130: {  	v63 =	vor.u32 $0x9, v11  }
0x131: {  	[tilespmem:v56+s5+$0x0] =	vst.idx.msk $0xffff, v30  }
0x132: {  	v40 =	vor.u32 $0x18, v12;
	v30 =	vld.idx.msk [tilespmem:v57+s3+$0x0], $0xffff;
	[tilespmem:v58+s5+$0x0] =	vst.idx.msk $0xffff, v33  }
0x133: {  	v41 =	vor.u32 $0x9, v13;
	v42 =	vor.u32 $0x18, v15;
	v33 =	vld.idx.msk [tilespmem:v59+s3+$0x0], $0xffff;
	[tilespmem:v60+s5+$0x0] =	vst.idx.msk $0xffff, v36  }
0x134: {  	v43 =	vor.u32 $0x9, v16;
	[tilespmem:v62+s5+$0x0] =	vst.idx.msk $0xffff, v27;
	v45 =	vor.u32 $0x18, v18;
	v44 =	vld.idx.msk [tilespmem:v61+s3+$0x0], $0xffff  }
0x135: {  	[tilespmem:v26+s5+$0x0] =	vst.idx.msk $0xffff, v22;
	v47 =	vor.u32 $0x9, v20;
	v51 =	vor.u32 $0x9, v8;
	v28 =	vld.idx.msk [tilespmem:v63+s4+$0x0], $0xffff  }
0x136: {  	[tilespmem:v25+s5+$0x0] =	vst.idx.msk $0xffff, v23;
	v46 =	vor.u32 $0x1D, v4;
	v52 =	vor.u32 $0x9, v10  }
0x137: {  	v24 =	vld.idx.msk [tilespmem:v24+s4+$0x0], $0xffff;
	v48 =	vor.u32 $0xB, v1;
	v49 =	vor.u32 $0x9, v3;
	[tilespmem:v40+s5+$0x0] =	vst.idx.msk $0xffff, v30  }
0x138: {  	v50 =	vor.u32 $0x9, v5;
	v31 =	vld.idx.msk [tilespmem:v41+s4+$0x0], $0xffff;
	v53 =	vor.u32 $0x9, v12;
	[tilespmem:v42+s5+$0x0] =	vst.idx.msk $0xffff, v33  }
0x139: {  	v54 =	vor.u32 $0x9, v14;
	v55 =	vor.u32 $0x9, v15;
	v22 =	vld.idx.msk [tilespmem:v43+s4+$0x0], $0xffff;
	[tilespmem:v45+s5+$0x0] =	vst.idx.msk $0xffff, v44  }
0x13a: {  	v56 =	vor.u32 $0x9, v17;
	v57 =	vor.u32 $0x9, v18;
	[tilespmem:v51+s5+$0x0] =	vst.idx.msk $0xffff, v28;
	v23 =	vld.idx.msk [tilespmem:v47+s4+$0x0], $0xffff  }
0x13b: {  	[tilespmem:v46+s5+$0x0] =	vst.idx.msk $0xffff, v21;
	v63 =	vor.u32 $0x19, v8;
	v59 =	vor.u32 $0x9, v19;
	v30 =	vld.idx.msk [tilespmem:v52+s3+$0x0], $0xffff  }
0x13c: {  	v25 =	vld.idx.msk [tilespmem:v48+s3+$0x0], $0xffff;
	[tilespmem:v49+s5+$0x0] =	vst.idx.msk $0xffff, v24;
	v40 =	vor.u32 $0xA, v11;
	v58 =	vor.u32 $0x1B, v0  }
0x13d: {  	v27 =	vld.idx.msk [tilespmem:v50+s3+$0x0], $0xffff;
	v60 =	vor.u32 $0xE, v9;
	[tilespmem:v53+s5+$0x0] =	vst.idx.msk $0xffff, v31;
	v61 =	vor.u32 $0x19, v3  }
0x13e: {  	v62 =	vor.u32 $0xA, v6;
	v41 =	vor.u32 $0x19, v12;
	v33 =	vld.idx.msk [tilespmem:v54+s3+$0x0], $0xffff;
	[tilespmem:v55+s5+$0x0] =	vst.idx.msk $0xffff, v22  }
0x13f: {  	v42 =	vor.u32 $0xA, v13;
	v43 =	vor.u32 $0x19, v15;
	v21 =	vld.idx.msk [tilespmem:v56+s3+$0x0], $0xffff;
	[tilespmem:v57+s5+$0x0] =	vst.idx.msk $0xffff, v23  }
0x140: {  	[tilespmem:v63+s5+$0x0] =	vst.idx.msk $0xffff, v30;
	v44 =	vor.u32 $0xA, v16;
	v45 =	vor.u32 $0x19, v18;
	v24 =	vld.idx.msk [tilespmem:v59+s3+$0x0], $0xffff  }
0x141: {  	v48 =	vor.u32 $0xA, v20;
	[tilespmem:v58+s5+$0x0] =	vst.idx.msk $0xffff, v25;
	v52 =	vor.u32 $0xA, v8;
	v30 =	vld.idx.msk [tilespmem:v40+s4+$0x0], $0xffff  }
0x142: {  	v53 =	vor.u32 $0xA, v10;
	v46 =	vld.idx.msk [tilespmem:v60+s4+$0x0], $0xffff;
	[tilespmem:v61+s5+$0x0] =	vst.idx.msk $0xffff, v27;
	v47 =	vor.u32 $0xE, v4  }
0x143: {  	v49 =	vor.u32 $0xC, v2;
	v50 =	vor.u32 $0xA, v3;
	[tilespmem:v41+s5+$0x0] =	vst.idx.msk $0xffff, v33;
	v28 =	vld.idx.msk [tilespmem:v62+s4+$0x0], $0xffff  }
0x144: {  	v51 =	vor.u32 $0xA, v5;
	v54 =	vor.u32 $0xA, v12;
	v22 =	vld.idx.msk [tilespmem:v42+s4+$0x0], $0xffff;
	[tilespmem:v43+s5+$0x0] =	vst.idx.msk $0xffff, v21  }
0x145: {  	v55 =	vor.u32 $0xA, v14;
	v56 =	vor.u32 $0xA, v15;
	v23 =	vld.idx.msk [tilespmem:v44+s4+$0x0], $0xffff;
	[tilespmem:v45+s5+$0x0] =	vst.idx.msk $0xffff, v24  }
0x146: {  	v58 =	vor.u32 $0xA, v18;
	[tilespmem:v52+s5+$0x0] =	vst.idx.msk $0xffff, v30;
	v57 =	vor.u32 $0xA, v17;
	v25 =	vld.idx.msk [tilespmem:v48+s4+$0x0], $0xffff  }
0x147: {  	v61 =	vor.u32 $0xA, v19;
	v41 =	vor.u32 $0x1A, v8;
	v31 =	vld.idx.msk [tilespmem:v53+s3+$0x0], $0xffff;
	[tilespmem:v47+s5+$0x0] =	vst.idx.msk $0xffff, v46  }
0x148: {  	v60 =	vor.u32 $0xC, v0;
	v42 =	vor.u32 $0xB, v11;
	[tilespmem:v50+s5+$0x0] =	vst.idx.msk $0xffff, v28;
	v59 =	vld.idx.msk [tilespmem:v49+s4+$0x0], $0xffff  }
0x149: {  	v63 =	vor.u32 $0x1A, v3;
	v62 =	vor.u32 $0xE, v7;
	[tilespmem:v54+s5+$0x0] =	vst.idx.msk $0xffff, v22;
	v29 =	vld.idx.msk [tilespmem:v51+s3+$0x0], $0xffff  }
0x14a: {  	v40 =	vor.u32 $0xB, v6;
	v43 =	vor.u32 $0x1A, v12;
	v21 =	vld.idx.msk [tilespmem:v55+s3+$0x0], $0xffff;
	[tilespmem:v56+s5+$0x0] =	vst.idx.msk $0xffff, v23  }
0x14b: {  	v44 =	vor.u32 $0xB, v13;
	v24 =	vld.idx.msk [tilespmem:v57+s3+$0x0], $0xffff;
	v45 =	vor.u32 $0x1A, v15;
	[tilespmem:v58+s5+$0x0] =	vst.idx.msk $0xffff, v25  }
0x14c: {  	v46 =	vor.u32 $0xB, v16;
	v47 =	vor.u32 $0x1A, v18;
	[tilespmem:v41+s5+$0x0] =	vst.idx.msk $0xffff, v31;
	v26 =	vld.idx.msk [tilespmem:v61+s3+$0x0], $0xffff  }
0x14d: {  	v50 =	vor.u32 $0xB, v20;
	v54 =	vor.u32 $0xB, v8;
	v22 =	vld.idx.msk [tilespmem:v42+s4+$0x0], $0xffff;
	[tilespmem:v60+s5+$0x0] =	vst.idx.msk $0xffff, v59  }
0x14e: {  	v49 =	vor.u32 $0x1E, v4;
	v55 =	vor.u32 $0xB, v10;
	[tilespmem:v63+s5+$0x0] =	vst.idx.msk $0xffff, v29;
	v48 =	vld.idx.msk [tilespmem:v62+s3+$0x0], $0xffff  }
0x14f: {  	v52 =	vor.u32 $0xB, v3;
	v51 =	vor.u32 $0xC, v1;
	[tilespmem:v43+s5+$0x0] =	vst.idx.msk $0xffff, v21;
	v30 =	vld.idx.msk [tilespmem:v40+s4+$0x0], $0xffff  }
0x150: {  	v53 =	vor.u32 $0xB, v5;
	v56 =	vor.u32 $0xB, v12;
	v23 =	vld.idx.msk [tilespmem:v44+s4+$0x0], $0xffff;
	[tilespmem:v45+s5+$0x0] =	vst.idx.msk $0xffff, v24  }
0x151: {  	v57 =	vor.u32 $0xB, v14;
	v25 =	vld.idx.msk [tilespmem:v46+s4+$0x0], $0xffff;
	v58 =	vor.u32 $0xB, v15;
	[tilespmem:v47+s5+$0x0] =	vst.idx.msk $0xffff, v26  }
0x152: {  	v59 =	vor.u32 $0xB, v17;
	v60 =	vor.u32 $0xB, v18;
	[tilespmem:v54+s5+$0x0] =	vst.idx.msk $0xffff, v22;
	v27 =	vld.idx.msk [tilespmem:v50+s4+$0x0], $0xffff  }
0x153: {  	v63 =	vor.u32 $0xB, v19;
	v43 =	vor.u32 $0x1B, v8;
	v21 =	vld.idx.msk [tilespmem:v55+s3+$0x0], $0xffff;
	[tilespmem:v49+s5+$0x0] =	vst.idx.msk $0xffff, v48  }
0x154: {  	v62 =	vor.u32 $0x1C, v0;
	v44 =	vor.u32 $0xC, v11;
	[tilespmem:v52+s5+$0x0] =	vst.idx.msk $0xffff, v30;
	v61 =	vld.idx.msk [tilespmem:v51+s3+$0x0], $0xffff  }
0x155: {  	v41 =	vor.u32 $0x1B, v3;
	v40 =	vor.u32 $0xF, v9;
	[tilespmem:v56+s5+$0x0] =	vst.idx.msk $0xffff, v23;
	v31 =	vld.idx.msk [tilespmem:v53+s3+$0x0], $0xffff  }
0x156: {  	v42 =	vor.u32 $0xC, v6;
	v45 =	vor.u32 $0x1B, v12;
	v24 =	vld.idx.msk [tilespmem:v57+s3+$0x0], $0xffff;
	[tilespmem:v58+s5+$0x0] =	vst.idx.msk $0xffff, v25  }
0x157: {  	v46 =	vor.u32 $0xC, v13;
	v26 =	vld.idx.msk [tilespmem:v59+s3+$0x0], $0xffff;
	v47 =	vor.u32 $0x1B, v15;
	[tilespmem:v60+s5+$0x0] =	vst.idx.msk $0xffff, v27  }
0x158: {  	v48 =	vor.u32 $0xC, v16;
	v49 =	vor.u32 $0x1B, v18;
	[tilespmem:v43+s5+$0x0] =	vst.idx.msk $0xffff, v21;
	v28 =	vld.idx.msk [tilespmem:v63+s3+$0x0], $0xffff  }
0x159: {  	v55 =	vor.u32 $0xC, v8;
	v51 =	vor.u32 $0xC, v20;
	v23 =	vld.idx.msk [tilespmem:v44+s4+$0x0], $0xffff;
	[tilespmem:v62+s5+$0x0] =	vst.idx.msk $0xffff, v61  }
0x15a: {  	v56 =	vor.u32 $0xC, v10;
	v9 =	vld.idx.msk [tilespmem:v40+s4+$0x0], $0xffff;
	[tilespmem:v41+s5+$0x0] =	vst.idx.msk $0xffff, v31;
	v50 =	vor.u32 $0xF, v4  }
0x15b: {  	v52 =	vor.u32 $0xD, v2;
	v53 =	vor.u32 $0xC, v3;
	[tilespmem:v45+s5+$0x0] =	vst.idx.msk $0xffff, v24;
	v22 =	vld.idx.msk [tilespmem:v42+s4+$0x0], $0xffff  }
0x15c: {  	v54 =	vor.u32 $0xC, v5;
	v57 =	vor.u32 $0xC, v12;
	v25 =	vld.idx.msk [tilespmem:v46+s4+$0x0], $0xffff;
	[tilespmem:v47+s5+$0x0] =	vst.idx.msk $0xffff, v26  }
0x15d: {  	v58 =	vor.u32 $0xC, v14;
	v59 =	vor.u32 $0xC, v15;
	v27 =	vld.idx.msk [tilespmem:v48+s4+$0x0], $0xffff;
	[tilespmem:v49+s5+$0x0] =	vst.idx.msk $0xffff, v28  }
0x15e: {  	v61 =	vor.u32 $0xC, v18;
	[tilespmem:v55+s5+$0x0] =	vst.idx.msk $0xffff, v23;
	v60 =	vor.u32 $0xC, v17;
	v28 =	vld.idx.msk [tilespmem:v51+s4+$0x0], $0xffff  }
0x15f: {  	v37 =	vor.u32 $0xC, v19;
	v41 =	vor.u32 $0x1C, v8;
	v24 =	vld.idx.msk [tilespmem:v56+s3+$0x0], $0xffff;
	[tilespmem:v50+s5+$0x0] =	vst.idx.msk $0xffff, v9  }
0x160: {  	v38 =	vor.u32 $0xF, v7;
	v62 =	vld.idx.msk [tilespmem:v52+s4+$0x0], $0xffff;
	[tilespmem:v53+s5+$0x0] =	vst.idx.msk $0xffff, v22;
	v63 =	vor.u32 $0xD, v0  }
0x161: {  	v39 =	vor.u32 $0x1C, v3;
	v42 =	vor.u32 $0xD, v11;
	[tilespmem:v57+s5+$0x0] =	vst.idx.msk $0xffff, v25;
	v21 =	vld.idx.msk [tilespmem:v54+s3+$0x0], $0xffff  }
0x162: {  	v40 =	vor.u32 $0xD, v6;
	v43 =	vor.u32 $0x1C, v12;
	v26 =	vld.idx.msk [tilespmem:v58+s3+$0x0], $0xffff;
	[tilespmem:v59+s5+$0x0] =	vst.idx.msk $0xffff, v27  }
0x163: {  	v44 =	vor.u32 $0xD, v13;
	v45 =	vor.u32 $0x1C, v15;
	v9 =	vld.idx.msk [tilespmem:v60+s3+$0x0], $0xffff;
	[tilespmem:v61+s5+$0x0] =	vst.idx.msk $0xffff, v28  }
0x164: {  	v46 =	vor.u32 $0xD, v16;
	v47 =	vor.u32 $0x1C, v18;
	[tilespmem:v41+s5+$0x0] =	vst.idx.msk $0xffff, v24;
	v22 =	vld.idx.msk [tilespmem:v37+s3+$0x0], $0xffff  }
0x165: {  	v48 =	vor.u32 $0x1F, v4;
	v7 =	vld.idx.msk [tilespmem:v38+s3+$0x0], $0xffff;
	[tilespmem:v63+s5+$0x0] =	vst.idx.msk $0xffff, v62;
	v49 =	vor.u32 $0xD, v20  }
0x166: {  	v50 =	vor.u32 $0xD, v1;
	v53 =	vor.u32 $0xD, v8;
	v25 =	vld.idx.msk [tilespmem:v42+s4+$0x0], $0xffff;
	[tilespmem:v39+s5+$0x0] =	vst.idx.msk $0xffff, v21  }
0x167: {  	v54 =	vor.u32 $0xD, v10;
	[tilespmem:v43+s5+$0x0] =	vst.idx.msk $0xffff, v26;
	v23 =	vld.idx.msk [tilespmem:v40+s4+$0x0], $0xffff;
	v51 =	vor.u32 $0xD, v3  }
0x168: {  	v52 =	vor.u32 $0xD, v5;
	v55 =	vor.u32 $0xD, v12;
	v27 =	vld.idx.msk [tilespmem:v44+s4+$0x0], $0xffff;
	[tilespmem:v45+s5+$0x0] =	vst.idx.msk $0xffff, v9  }
0x169: {  	v56 =	vor.u32 $0xD, v14;
	v57 =	vor.u32 $0xD, v15;
	v28 =	vld.idx.msk [tilespmem:v46+s4+$0x0], $0xffff;
	[tilespmem:v47+s5+$0x0] =	vst.idx.msk $0xffff, v22  }
0x16a: {  	v58 =	vor.u32 $0xD, v17;
	[tilespmem:v48+s5+$0x0] =	vst.idx.msk $0xffff, v7;
	v60 =	vor.u32 $0xD, v18;
	v59 =	vld.idx.msk [tilespmem:v49+s4+$0x0], $0xffff  }
0x16b: {  	v62 =	vor.u32 $0x1D, v0;
	v63 =	vor.u32 $0xD, v19;
	[tilespmem:v53+s5+$0x0] =	vst.idx.msk $0xffff, v25;
	v61 =	vld.idx.msk [tilespmem:v50+s3+$0x0], $0xffff  }
0x16c: {  	v36 =	vor.u32 $0xE, v2;
	v39 =	vor.u32 $0x1D, v8;
	v26 =	vld.idx.msk [tilespmem:v54+s3+$0x0], $0xffff;
	[tilespmem:v51+s5+$0x0] =	vst.idx.msk $0xffff, v23  }
0x16d: {  	v40 =	vor.u32 $0xE, v11;
	[tilespmem:v55+s5+$0x0] =	vst.idx.msk $0xffff, v27;
	v24 =	vld.idx.msk [tilespmem:v52+s3+$0x0], $0xffff;
	v37 =	vor.u32 $0x1D, v3  }
0x16e: {  	v38 =	vor.u32 $0xE, v6;
	v41 =	vor.u32 $0x1D, v12;
	v9 =	vld.idx.msk [tilespmem:v56+s3+$0x0], $0xffff;
	[tilespmem:v57+s5+$0x0] =	vst.idx.msk $0xffff, v28  }
0x16f: {  	v42 =	vor.u32 $0xE, v13;
	v43 =	vor.u32 $0x1D, v15;
	v4 =	vld.idx.msk [tilespmem:v58+s3+$0x0], $0xffff;
	[tilespmem:v60+s5+$0x0] =	vst.idx.msk $0xffff, v59  }
0x170: {  	v44 =	vor.u32 $0xE, v16;
	v45 =	vor.u32 $0x1D, v18;
	[tilespmem:v62+s5+$0x0] =	vst.idx.msk $0xffff, v61;
	v21 =	vld.idx.msk [tilespmem:v63+s3+$0x0], $0xffff  }
0x171: {  	v48 =	vor.u32 $0xE, v20;
	[tilespmem:v39+s5+$0x0] =	vst.idx.msk $0xffff, v26;
	v46 =	vld.idx.msk [tilespmem:v36+s4+$0x0], $0xffff;
	v47 =	vor.u32 $0xE, v0  }
0x172: {  	v52 =	vor.u32 $0xE, v8;
	v27 =	vld.idx.msk [tilespmem:v40+s4+$0x0], $0xffff;
	[tilespmem:v37+s5+$0x0] =	vst.idx.msk $0xffff, v24;
	v49 =	vor.u32 $0xE, v1  }
0x173: {  	v53 =	vor.u32 $0xE, v10;
	v50 =	vor.u32 $0xE, v3;
	[tilespmem:v41+s5+$0x0] =	vst.idx.msk $0xffff, v9;
	v25 =	vld.idx.msk [tilespmem:v38+s4+$0x0], $0xffff  }
0x174: {  	v54 =	vor.u32 $0xE, v12;
	v51 =	vor.u32 $0xE, v5;
	v28 =	vld.idx.msk [tilespmem:v42+s4+$0x0], $0xffff;
	[tilespmem:v43+s5+$0x0] =	vst.idx.msk $0xffff, v4  }
0x175: {  	v55 =	vor.u32 $0xE, v14;
	v56 =	vor.u32 $0xE, v15;
	v7 =	vld.idx.msk [tilespmem:v44+s4+$0x0], $0xffff;
	[tilespmem:v45+s5+$0x0] =	vst.idx.msk $0xffff, v21  }
0x176: {  	v57 =	vor.u32 $0xE, v17;
	v58 =	vor.u32 $0xE, v18;
	[tilespmem:v47+s5+$0x0] =	vst.idx.msk $0xffff, v46;
	v22 =	vld.idx.msk [tilespmem:v48+s4+$0x0], $0xffff  }
0x177: {  	v61 =	vor.u32 $0xE, v19;
	[tilespmem:v52+s5+$0x0] =	vst.idx.msk $0xffff, v27;
	v59 =	vld.idx.msk [tilespmem:v49+s3+$0x0], $0xffff;
	v60 =	vor.u32 $0x1E, v0  }
0x178: {  	v35 =	vor.u32 $0x1E, v8;
	v62 =	vor.u32 $0xF, v2;
	v9 =	vld.idx.msk [tilespmem:v53+s3+$0x0], $0xffff;
	[tilespmem:v50+s5+$0x0] =	vst.idx.msk $0xffff, v25  }
0x179: {  	v36 =	vor.u32 $0xF, v11;
	[tilespmem:v54+s5+$0x0] =	vst.idx.msk $0xffff, v28;
	v26 =	vld.idx.msk [tilespmem:v51+s3+$0x0], $0xffff;
	v63 =	vor.u32 $0x1E, v3  }
0x17a: {  	v32 =	vor.u32 $0xF, v6;
	v37 =	vor.u32 $0x1E, v12;
	v4 =	vld.idx.msk [tilespmem:v55+s3+$0x0], $0xffff;
	[tilespmem:v56+s5+$0x0] =	vst.idx.msk $0xffff, v7  }
0x17b: {  	v40 =	vor.u32 $0x1E, v15;
	v38 =	vor.u32 $0xF, v13;
	v39 =	vld.idx.msk [tilespmem:v57+s3+$0x0], $0xffff;
	[tilespmem:v58+s5+$0x0] =	vst.idx.msk $0xffff, v22  }
0x17c: {  	v41 =	vor.u32 $0xF, v16;
	v42 =	vor.u32 $0x1E, v18;
	[tilespmem:v60+s5+$0x0] =	vst.idx.msk $0xffff, v59;
	v22 =	vld.idx.msk [tilespmem:v61+s3+$0x0], $0xffff  }
0x17d: {  	v20 =	vor.u32 $0xF, v20;
	v43 =	vor.u32 $0xF, v0;
	[tilespmem:v35+s5+$0x0] =	vst.idx.msk $0xffff, v9;
	v2 =	vld.idx.msk [tilespmem:v62+s4+$0x0], $0xffff  }
0x17e: {  	v47 =	vor.u32 $0xF, v8;
	v44 =	vor.u32 $0xF, v1;
	v9 =	vld.idx.msk [tilespmem:v36+s4+$0x0], $0xffff;
	[tilespmem:v63+s5+$0x0] =	vst.idx.msk $0xffff, v26  }
0x17f: {  	v45 =	vor.u32 $0xF, v3;
	[tilespmem:v37+s5+$0x0] =	vst.idx.msk $0xffff, v4;
	v6 =	vld.idx.msk [tilespmem:v32+s4+$0x0], $0xffff;
	v48 =	vor.u32 $0xF, v10  }
0x180: {  	v46 =	vor.u32 $0xF, v5;
	v49 =	vor.u32 $0xF, v12;
	v7 =	vld.idx.msk [tilespmem:v38+s4+$0x0], $0xffff;
	[tilespmem:v40+s5+$0x0] =	vst.idx.msk $0xffff, v39  }
0x181: {  	v52 =	vor.u32 $0xF, v15;
	v50 =	vor.u32 $0xF, v14;
	v51 =	vld.idx.msk [tilespmem:v41+s4+$0x0], $0xffff;
	[tilespmem:v42+s5+$0x0] =	vst.idx.msk $0xffff, v22  }
0x182: {  	v53 =	vor.u32 $0xF, v17;
	v55 =	vor.u32 $0xF, v18;
	[tilespmem:v43+s5+$0x0] =	vst.idx.msk $0xffff, v2;
	v54 =	vld.idx.msk [tilespmem:v20+s4+$0x0], $0xffff  }
0x183: {  	v56 =	vor.u32 $0x1F, v0;
	v57 =	vor.u32 $0xF, v19;
	[tilespmem:v47+s5+$0x0] =	vst.idx.msk $0xffff, v9;
	v1 =	vld.idx.msk [tilespmem:v44+s3+$0x0], $0xffff  }
0x184: {  	v59 =	vor.u32 $0x1F, v8;
	[tilespmem:v45+s5+$0x0] =	vst.idx.msk $0xffff, v6;
	v4 =	vld.idx.msk [tilespmem:v48+s3+$0x0], $0xffff  }
0x185: {  	v58 =	vor.u32 $0x1F, v3;
	[tilespmem:v49+s5+$0x0] =	vst.idx.msk $0xffff, v7;
	v5 =	vld.idx.msk [tilespmem:v46+s3+$0x0], $0xffff  }
0x186: {  	v60 =	vor.u32 $0x1F, v12;
	v7 =	vld.idx.msk [tilespmem:v50+s3+$0x0], $0xffff;
	[tilespmem:v52+s5+$0x0] =	vst.idx.msk $0xffff, v51  }
0x187: {  	v61 =	vor.u32 $0x1F, v15;
	v2 =	vld.idx.msk [tilespmem:v53+s3+$0x0], $0xffff;
	[tilespmem:v55+s5+$0x0] =	vst.idx.msk $0xffff, v54  }
0x188: {  	v63 =	vor.u32 $0x1F, v18;
	[tilespmem:v56+s5+$0x0] =	vst.idx.msk $0xffff, v1;
	v62 =	vld.idx.msk [tilespmem:v57+s3+$0x0], $0xffff  }
0x189: {  	[tilespmem:v59+s5+$0x0] =	vst.idx.msk $0xffff, v4  }
0x18a: {  	[tilespmem:v58+s5+$0x0] =	vst.idx.msk $0xffff, v5  }
0x18b: {  	[tilespmem:v60+s5+$0x0] =	vst.idx.msk $0xffff, v7  }
0x18c: {  	s28 =	sshll.u32 s1, $0xC;
	s29 =	simm.s32 $0x0;
	[tilespmem:v61+s5+$0x0] =	vst.idx.msk $0xffff, v2  }
0x18d: {  	s30 =	simm.s32 $0x4720;
	s31 =	simm.s32 $0x1;
	s2 =	sadd.s32 s2, s28;
	[tilespmem:v63+s5+$0x0] =	vst.idx.msk $0xffff, v62  }
0x18e: {  	[hbm4b:s2+s29] =	stream.linear.scatter [tilespmem:s30], [sflag:$0x1], $0x8000, $0x38;
	[tilespmem:$0xC720] =	vst v63  }
0x18f: {  	_ =	swait.ge [sflag:s31], $0x8000  }
0x190: {  	[sflag:s31] =	ssyncset.done $0x0  }
0x191: {  	[sflag:s31] =	ssyncadd.s32 $0xFFFF8000  }
0x192: {  	_ =	sfence.sel $0x180000  }
0x193: {  	[bflag:$0x0] =	sbarrier.arrive $0xFFFF  }
0x194: {  	p0 =	sne.s32 s1, $0x0;
	_ =	strace $0x90000047  }
0x195: {  	s0 =	sadd.s32 @!p0 $0x100000, s0;
	[bflag:$0x2] =	sbarrier.arrive $0xFFFF  }
0x196: {  	[sflag:s0] =	ssyncadd.tile.s32 @!p0 $0x1;
	_ =	shalt  }
.Lfunc_end2:
_tile_overlayer_lowered:
.L_overlay_start_2:
0x197: {  	(tag) =	ssettag $0x2  }
0x198: {  	s0 =	rddreg [dreg:$0x0];
	s2 =	stileid.u32  }
0x199: {  	s1 =	rddreg [dreg:$0x1];
	p0 =	sne.s32 s2, $0x0  }
0x19a: {  	s3 =	rddreg [dreg:$0x2];
	[bflag:$0x3] =	sbarrier.arrive $0xFFFF;
	s2 =	simm.s32 @!p0 $0x1C01  }
0x19b: {  	[timem:s3], [sflag:s2] =	dma.local @!p0 [hbm:s0], s1  }
0x19c: {  	s0 =	simm.s32 @!p0 $0x1  }
0x19d: {  	_ =	swait.ge @!p0 [sflag:s0], s1  }
0x19e: {  	s1 =	ssub.s32 @!p0 $0x0, s1;
	[sflag:s0] =	ssyncset.done @!p0 $0x0  }
0x19f: {  	[sflag:s0] =	ssyncadd.s32 @!p0 s1  }
0x1a0: {  	[bflag:$0x3] =	sbarrier.arrive $0xFFFF  }
0x1a1: {  	_ =	shalt  }

</sc_bundles>
